<compile_context>
chip_gen: v7x
topology: tpu7x:2x2x1
jax: 0.10.2.dev20260603
libtpu: 0.0.44.dev20260713+nightly
codegen_flags: <defaults>
</compile_context>

<pallas_src>
import functools

import jax
import jax.numpy as jnp
from jax import lax
from jax.experimental import pallas as pl
from jax.experimental.pallas import tpu as pltpu
from jax.experimental.pallas import tpu_sc as plsc

N_ROWS = 8192
N_COLS = 4096
SC_ROWS = 1024
TC_ROWS = N_ROWS - SC_ROWS

NC = 2
NS = 16
NW = NC * NS
ROWS_PER_W = SC_ROWS // NW
CHUNK = 4
NCHUNK = ROWS_PER_W // CHUNK
L = 16
GROUPS = N_COLS // L

BLK_R = 512
BLK_C = 128
NCB = N_COLS // BLK_C
SC_BLKS = SC_ROWS // BLK_R

_mesh = plsc.VectorSubcoreMesh(core_axis_name="c", subcore_axis_name="s")


@functools.partial(
    pl.kernel,
    out_type=jax.ShapeDtypeStruct((N_ROWS, N_COLS), jnp.float32),
    mesh=_mesh,
    scratch_types=[
        pltpu.VMEM((CHUNK, N_COLS), jnp.float32),
        pltpu.VMEM((CHUNK, N_COLS), jnp.float32),
        pltpu.VMEM((CHUNK, N_COLS), jnp.float32),
        pltpu.VMEM((CHUNK, N_COLS), jnp.float32),
        pltpu.SemaphoreType.DMA,
        pltpu.SemaphoreType.DMA,
        pltpu.SemaphoreType.DMA,
        pltpu.SemaphoreType.DMA,
    ],
)
def _flip_sc(in_hbm, out_hbm, in_b0, in_b1, out_b0, out_b1,
             si0, si1, so0, so1):
    wid = lax.axis_index("s") * NC + lax.axis_index("c")
    row0 = wid * ROWS_PER_W
    in_bufs = (in_b0, in_b1)
    out_bufs = (out_b0, out_b1)
    in_sems = (si0, si1)
    out_sems = (so0, so1)

    def in_slice(ci):
        return in_hbm.at[pl.ds(row0 + ci * CHUNK, CHUNK), :]

    def out_slice(ci):
        return out_hbm.at[pl.ds(row0 + ci * CHUNK, CHUNK), :]

    pltpu.async_copy(in_slice(0), in_b0, si0)

    def body(j, _):
        for b in (0, 1):
            ci = 2 * j + b
            @pl.when(ci + 1 < NCHUNK)
            def _():
                pltpu.async_copy(in_slice(ci + 1), in_bufs[1 - b],
                                 in_sems[1 - b])

            pltpu.make_async_copy(in_slice(ci), in_bufs[b], in_sems[b]).wait()
            @pl.when(ci >= 2)
            def _():
                pltpu.make_async_copy(out_bufs[b], out_slice(ci),
                                      out_sems[b]).wait()

            src = in_bufs[b]
            dst = out_bufs[b]
            for r in range(CHUNK):
                @plsc.parallel_loop(0, GROUPS, unroll=8)
                def _(g):
                    x = src[r, pl.ds(g * L, L)]
                    dst[r, pl.ds((N_COLS - L) - g * L, L)] = lax.rev(
                        x, dimensions=(0,))

            pltpu.async_copy(dst, out_slice(ci), out_sems[b])
        return 0

    lax.fori_loop(0, NCHUNK // 2, body, 0)
    pltpu.make_async_copy(out_b0, out_slice(NCHUNK - 2), so0).wait()
    pltpu.make_async_copy(out_b1, out_slice(NCHUNK - 1), so1).wait()


def _tc_body(in_ref, alias_ref, out_ref):
    idx = (BLK_C - 1) - jax.lax.broadcasted_iota(
        jnp.int32, (BLK_R, BLK_C), 1)
    for j in range(NCB):
        x = in_ref[:, (NCB - 1 - j) * BLK_C:(NCB - j) * BLK_C]
        out_ref[:, j * BLK_C:(j + 1) * BLK_C] = jnp.take_along_axis(
            x, idx, axis=1)


def kernel(inputs):
    sc_out = _flip_sc(inputs)
    out = pl.pallas_call(
        _tc_body,
        grid=(TC_ROWS // BLK_R,),
        in_specs=[
            pl.BlockSpec((BLK_R, N_COLS), lambda i: (i + SC_BLKS, 0)),
            pl.BlockSpec(memory_space=pl.ANY),
        ],
        out_specs=pl.BlockSpec((BLK_R, N_COLS), lambda i: (i + SC_BLKS, 0)),
        out_shape=jax.ShapeDtypeStruct((N_ROWS, N_COLS), jnp.float32),
        input_output_aliases={1: 0},
    )(inputs, sc_out)
    return (out, 0)

# --- scband reference (transcript-rebuilt; emitter-appended) ---
"""Pipeline reference for scband-permutation-43250320671342 (READ-ONLY COPY).

The authoritative reference and input builder live on the scoring server;
editing this copy changes nothing except your own understanding.
"""

import jax, jax.numpy as jnp
import numpy as np

IN_FEATURES = 4096
# p='flip' -> reversed indices, deterministic
PERM = jnp.arange(IN_FEATURES - 1, -1, -1, dtype=jnp.int32)

def setup_inputs(seed: int = 0) -> dict:
    key = jax.random.key(seed)
    inputs = jax.random.normal(key, (8192, IN_FEATURES), dtype=jnp.float32)
    return {"inputs": inputs}

def reference(inputs):
    # Faithful translation: inputs[:, self.p], log-det-Jacobian = 0
    out = jnp.take(inputs, PERM, axis=1)
    return (out, 0)

if __name__ == "__main__":
    import jax
    _d = setup_inputs()
    print(jax.jit(kernel)(*tuple(_d.values())))

</pallas_src>

<mosaic_0001>
#map = affine_map<(d0, d1) -> (0, 0)>
module attributes {stable_mosaic.version = 14 : i64} {
  func.func @_flip_sc(%arg0: i32, %arg1: i32, %arg2: memref<8192x4096xf32, #tpu.memory_space<hbm>>, %arg3: memref<8192x4096xf32, #tpu.memory_space<hbm>>, %arg4: memref<4x4096xf32, #tpu.memory_space<vmem>>, %arg5: memref<4x4096xf32, #tpu.memory_space<vmem>>, %arg6: memref<4x4096xf32, #tpu.memory_space<vmem>>, %arg7: memref<4x4096xf32, #tpu.memory_space<vmem>>, %arg8: memref<!tpu.dma_semaphore, #tpu.memory_space<semaphore_mem>>, %arg9: memref<!tpu.dma_semaphore, #tpu.memory_space<semaphore_mem>>, %arg10: memref<!tpu.dma_semaphore, #tpu.memory_space<semaphore_mem>>, %arg11: memref<!tpu.dma_semaphore, #tpu.memory_space<semaphore_mem>>) attributes {dimension_semantics = [#tpu.dimension_semantics<core_parallel>, #tpu.dimension_semantics<subcore_parallel>], iteration_bounds = array<i64: 2, 16>, scalar_prefetch = 0 : i64, scratch_operands = 8 : i64, tpu.core_type = #tpu.core_type<sc_vector_subcore>, window_params = [{transform_indices = #map}, {transform_indices = #map}]} {
    %mul3A = arith.constant 2 : i32
    %mul3A_0 = arith.muli %arg1, %mul3A : i32
    %add3A = arith.addi %mul3A_0, %arg0 : i32
    %mul3A_1 = arith.constant 32 : i32
    %mul3A_2 = arith.muli %add3A, %mul3A_1 : i32
    %add3A_3 = arith.constant 0 : i32
    %add3A_4 = arith.addi %mul3A_2, %add3A_3 : i32
    %dma_start3A = arith.constant 0 : i32
    %dma_start3A_5 = tpu.memref_slice %arg2[%add3A_4, %dma_start3A] : memref<8192x4096xf32, #tpu.memory_space<hbm>> -> memref<4x4096xf32, #tpu.memory_space<hbm>>
    %dma_start3A_6 = arith.constant 0 : i32
    %dma_start3A_7 = tpu.memref_slice %arg2[%add3A_4, %dma_start3A_6] : memref<8192x4096xf32, #tpu.memory_space<hbm>> -> memref<4x4096xf32, #tpu.memory_space<hbm>>
    tpu.enqueue_dma source(%dma_start3A_7 : memref<4x4096xf32, #tpu.memory_space<hbm>>) target(%arg4 : memref<4x4096xf32, #tpu.memory_space<vmem>>) target_semaphore(%arg8 : memref<!tpu.dma_semaphore, #tpu.memory_space<semaphore_mem>>)
    %scan3A = arith.constant 0 : i32
    %scan3A_8 = arith.constant 0 : i32
    %scan3A_9 = arith.constant 4 : i32
    %scan3A_10 = arith.addi %scan3A_8, %scan3A_9 : i32
    %scan3A_11 = arith.constant 1 : i32
    %scan3A_12 = scf.for %scan3A_25 = %scan3A_8 to %scan3A_10 step %scan3A_11 iter_args(%scan3A_26 = %scan3A) -> (i32)  : i32 {
      %mul3A_27 = arith.constant 2 : i32
      %mul3A_28 = arith.muli %mul3A_27, %scan3A_25 : i32
      %add3A_29 = arith.constant 0 : i32
      %add3A_30 = arith.addi %mul3A_28, %add3A_29 : i32
      %add3A_31 = arith.constant 1 : i32
      %add3A_32 = arith.addi %add3A_30, %add3A_31 : i32
      %lt3A = arith.constant 8 : i32
      %lt3A_33 = arith.cmpi slt, %add3A_32, %lt3A : i32
      %convert_element_type3A = arith.extui %lt3A_33 : i1 to i32
      %cond3A = arith.constant 0 : i32
      %cond3A_34 = arith.cmpi ne, %convert_element_type3A, %cond3A : i32
      scf.if %cond3A_34 {
        %add3A_107 = arith.constant 1 : i32
        %add3A_108 = arith.addi %add3A_30, %add3A_107 : i32
        %mul3A_109 = arith.constant 4 : i32
        %mul3A_110 = arith.muli %add3A_108, %mul3A_109 : i32
        %add3A_111 = arith.addi %mul3A_2, %mul3A_110 : i32
        %dma_start3A_112 = arith.constant 0 : i32
        %dma_start3A_113 = tpu.memref_slice %arg2[%add3A_111, %dma_start3A_112] : memref<8192x4096xf32, #tpu.memory_space<hbm>> -> memref<4x4096xf32, #tpu.memory_space<hbm>>
        %dma_start3A_114 = arith.constant 0 : i32
        %dma_start3A_115 = tpu.memref_slice %arg2[%add3A_111, %dma_start3A_114] : memref<8192x4096xf32, #tpu.memory_space<hbm>> -> memref<4x4096xf32, #tpu.memory_space<hbm>>
        tpu.enqueue_dma source(%dma_start3A_115 : memref<4x4096xf32, #tpu.memory_space<hbm>>) target(%arg5 : memref<4x4096xf32, #tpu.memory_space<vmem>>) target_semaphore(%arg9 : memref<!tpu.dma_semaphore, #tpu.memory_space<semaphore_mem>>)
      } else {
      }
      %mul3A_35 = arith.constant 4 : i32
      %mul3A_36 = arith.muli %add3A_30, %mul3A_35 : i32
      %add3A_37 = arith.addi %mul3A_2, %mul3A_36 : i32
      %dma_wait3A_38 = arith.constant 0 : i32
      %dma_wait3A_39 = tpu.memref_slice %arg2[%add3A_37, %dma_wait3A_38] : memref<8192x4096xf32, #tpu.memory_space<hbm>> -> memref<4x4096xf32, #tpu.memory_space<hbm>>
      %dma_wait3A_40 = arith.constant 0 : i32
      %dma_wait3A_41 = tpu.memref_slice %arg2[%add3A_37, %dma_wait3A_40] : memref<8192x4096xf32, #tpu.memory_space<hbm>> -> memref<4x4096xf32, #tpu.memory_space<hbm>>
      tpu.wait_dma2 semaphore(%arg8 : memref<!tpu.dma_semaphore, #tpu.memory_space<semaphore_mem>>) src(%dma_wait3A_41 : memref<4x4096xf32, #tpu.memory_space<hbm>>) dst(%arg4 : memref<4x4096xf32, #tpu.memory_space<vmem>>)
      %ge3A = arith.constant 2 : i32
      %ge3A_42 = arith.cmpi sge, %add3A_30, %ge3A : i32
      %convert_element_type3A_43 = arith.extui %ge3A_42 : i1 to i32
      %cond3A_44 = arith.constant 0 : i32
      %cond3A_45 = arith.cmpi ne, %convert_element_type3A_43, %cond3A_44 : i32
      scf.if %cond3A_45 {
        %mul3A_107 = arith.constant 4 : i32
        %mul3A_108 = arith.muli %add3A_30, %mul3A_107 : i32
        %add3A_109 = arith.addi %mul3A_2, %mul3A_108 : i32
        %dma_wait3A_110 = arith.constant 0 : i32
        %dma_wait3A_111 = tpu.memref_slice %arg3[%add3A_109, %dma_wait3A_110] : memref<8192x4096xf32, #tpu.memory_space<hbm>> -> memref<4x4096xf32, #tpu.memory_space<hbm>>
        %dma_wait3A_112 = arith.constant 0 : i32
        %dma_wait3A_113 = tpu.memref_slice %arg3[%add3A_109, %dma_wait3A_112] : memref<8192x4096xf32, #tpu.memory_space<hbm>> -> memref<4x4096xf32, #tpu.memory_space<hbm>>
        tpu.wait_dma2 semaphore(%arg10 : memref<!tpu.dma_semaphore, #tpu.memory_space<semaphore_mem>>) src(%arg6 : memref<4x4096xf32, #tpu.memory_space<vmem>>) dst(%dma_wait3A_113 : memref<4x4096xf32, #tpu.memory_space<hbm>>)
      } else {
      }
      %parallel_loop3A = arith.constant 0 : i32
      %parallel_loop3A_46 = arith.constant 256 : i32
      %parallel_loop3A_47 = arith.constant 1 : i32
      scf.for %parallel_loop3A_107 = %parallel_loop3A to %parallel_loop3A_46 step %parallel_loop3A_47  : i32 {
        %parallel_loop3A_108 = arith.constant 16 : i32
        %parallel_loop3A_109 = arith.muli %parallel_loop3A_107, %parallel_loop3A_108 : i32
        %parallel_loop3A_110 = arith.constant 0 : i32
        %parallel_loop3A_111 = arith.index_cast %parallel_loop3A_110 : i32 to index
        %parallel_loop3A_112 = arith.index_cast %parallel_loop3A_109 : i32 to index
        %parallel_loop3A_113 = tpu.vector_load %arg4[%parallel_loop3A_111, %parallel_loop3A_112] {strides = array<i32>} : memref<4x4096xf32, #tpu.memory_space<vmem>>, vector<1x16xf32>,
        %parallel_loop3A_114 = vector.shape_cast %parallel_loop3A_113 : vector<1x16xf32> to vector<16xf32>
        %parallel_loop3A_115 = arith.constant 15 : i32
        %parallel_loop3A_116 = vector.broadcast %parallel_loop3A_115 : i32 to vector<16xi32>
        %parallel_loop3A_117 = tpu.iota {dimensions = array<i32: 0>} : vector<16xi32>
        %parallel_loop3A_118 = arith.subi %parallel_loop3A_116, %parallel_loop3A_117 : vector<16xi32>
        %parallel_loop3A_119 = tpu.dynamic_gather %parallel_loop3A_114[%parallel_loop3A_118] in [0] : vector<16xf32>, vector<16xi32> -> vector<16xf32>
        %parallel_loop3A_120 = arith.constant 16 : i32
        %parallel_loop3A_121 = arith.muli %parallel_loop3A_107, %parallel_loop3A_120 : i32
        %parallel_loop3A_122 = arith.constant 4080 : i32
        %parallel_loop3A_123 = arith.subi %parallel_loop3A_122, %parallel_loop3A_121 : i32
        %parallel_loop3A_124 = arith.constant 0 : i32
        %parallel_loop3A_125 = arith.index_cast %parallel_loop3A_124 : i32 to index
        %parallel_loop3A_126 = arith.index_cast %parallel_loop3A_123 : i32 to index
        %parallel_loop3A_127 = tpu.vector_load %arg6[%parallel_loop3A_125, %parallel_loop3A_126] {strides = array<i32>} : memref<4x4096xf32, #tpu.memory_space<vmem>>, vector<1x16xf32>,
        %parallel_loop3A_128 = vector.shape_cast %parallel_loop3A_127 : vector<1x16xf32> to vector<16xf32>
        %parallel_loop3A_129 = vector.shape_cast %parallel_loop3A_119 : vector<16xf32> to vector<1x16xf32>
        tpu.vector_store %arg6[%parallel_loop3A_125, %parallel_loop3A_126], %parallel_loop3A_129 {strides = array<i32>} : memref<4x4096xf32, #tpu.memory_space<vmem>>, vector<1x16xf32>,
      } {sc.loop_unroll_factor = 8 : i64, sc.parallel_access}
      %parallel_loop3A_48 = arith.constant 0 : i32
      %parallel_loop3A_49 = arith.constant 256 : i32
      %parallel_loop3A_50 = arith.constant 1 : i32
      scf.for %parallel_loop3A_107 = %parallel_loop3A_48 to %parallel_loop3A_49 step %parallel_loop3A_50  : i32 {
        %parallel_loop3A_108 = arith.constant 16 : i32
        %parallel_loop3A_109 = arith.muli %parallel_loop3A_107, %parallel_loop3A_108 : i32
        %parallel_loop3A_110 = arith.constant 1 : i32
        %parallel_loop3A_111 = arith.index_cast %parallel_loop3A_110 : i32 to index
        %parallel_loop3A_112 = arith.index_cast %parallel_loop3A_109 : i32 to index
        %parallel_loop3A_113 = tpu.vector_load %arg4[%parallel_loop3A_111, %parallel_loop3A_112] {strides = array<i32>} : memref<4x4096xf32, #tpu.memory_space<vmem>>, vector<1x16xf32>,
        %parallel_loop3A_114 = vector.shape_cast %parallel_loop3A_113 : vector<1x16xf32> to vector<16xf32>
        %parallel_loop3A_115 = arith.constant 15 : i32
        %parallel_loop3A_116 = vector.broadcast %parallel_loop3A_115 : i32 to vector<16xi32>
        %parallel_loop3A_117 = tpu.iota {dimensions = array<i32: 0>} : vector<16xi32>
        %parallel_loop3A_118 = arith.subi %parallel_loop3A_116, %parallel_loop3A_117 : vector<16xi32>
        %parallel_loop3A_119 = tpu.dynamic_gather %parallel_loop3A_114[%parallel_loop3A_118] in [0] : vector<16xf32>, vector<16xi32> -> vector<16xf32>
        %parallel_loop3A_120 = arith.constant 16 : i32
        %parallel_loop3A_121 = arith.muli %parallel_loop3A_107, %parallel_loop3A_120 : i32
        %parallel_loop3A_122 = arith.constant 4080 : i32
        %parallel_loop3A_123 = arith.subi %parallel_loop3A_122, %parallel_loop3A_121 : i32
        %parallel_loop3A_124 = arith.constant 1 : i32
        %parallel_loop3A_125 = arith.index_cast %parallel_loop3A_124 : i32 to index
        %parallel_loop3A_126 = arith.index_cast %parallel_loop3A_123 : i32 to index
        %parallel_loop3A_127 = tpu.vector_load %arg6[%parallel_loop3A_125, %parallel_loop3A_126] {strides = array<i32>} : memref<4x4096xf32, #tpu.memory_space<vmem>>, vector<1x16xf32>,
        %parallel_loop3A_128 = vector.shape_cast %parallel_loop3A_127 : vector<1x16xf32> to vector<16xf32>
        %parallel_loop3A_129 = vector.shape_cast %parallel_loop3A_119 : vector<16xf32> to vector<1x16xf32>
        tpu.vector_store %arg6[%parallel_loop3A_125, %parallel_loop3A_126], %parallel_loop3A_129 {strides = array<i32>} : memref<4x4096xf32, #tpu.memory_space<vmem>>, vector<1x16xf32>,
      } {sc.loop_unroll_factor = 8 : i64, sc.parallel_access}
      %parallel_loop3A_51 = arith.constant 0 : i32
      %parallel_loop3A_52 = arith.constant 256 : i32
      %parallel_loop3A_53 = arith.constant 1 : i32
      scf.for %parallel_loop3A_107 = %parallel_loop3A_51 to %parallel_loop3A_52 step %parallel_loop3A_53  : i32 {
        %parallel_loop3A_108 = arith.constant 16 : i32
        %parallel_loop3A_109 = arith.muli %parallel_loop3A_107, %parallel_loop3A_108 : i32
        %parallel_loop3A_110 = arith.constant 2 : i32
        %parallel_loop3A_111 = arith.index_cast %parallel_loop3A_110 : i32 to index
        %parallel_loop3A_112 = arith.index_cast %parallel_loop3A_109 : i32 to index
        %parallel_loop3A_113 = tpu.vector_load %arg4[%parallel_loop3A_111, %parallel_loop3A_112] {strides = array<i32>} : memref<4x4096xf32, #tpu.memory_space<vmem>>, vector<1x16xf32>,
        %parallel_loop3A_114 = vector.shape_cast %parallel_loop3A_113 : vector<1x16xf32> to vector<16xf32>
        %parallel_loop3A_115 = arith.constant 15 : i32
        %parallel_loop3A_116 = vector.broadcast %parallel_loop3A_115 : i32 to vector<16xi32>
        %parallel_loop3A_117 = tpu.iota {dimensions = array<i32: 0>} : vector<16xi32>
        %parallel_loop3A_118 = arith.subi %parallel_loop3A_116, %parallel_loop3A_117 : vector<16xi32>
        %parallel_loop3A_119 = tpu.dynamic_gather %parallel_loop3A_114[%parallel_loop3A_118] in [0] : vector<16xf32>, vector<16xi32> -> vector<16xf32>
        %parallel_loop3A_120 = arith.constant 16 : i32
        %parallel_loop3A_121 = arith.muli %parallel_loop3A_107, %parallel_loop3A_120 : i32
        %parallel_loop3A_122 = arith.constant 4080 : i32
        %parallel_loop3A_123 = arith.subi %parallel_loop3A_122, %parallel_loop3A_121 : i32
        %parallel_loop3A_124 = arith.constant 2 : i32
        %parallel_loop3A_125 = arith.index_cast %parallel_loop3A_124 : i32 to index
        %parallel_loop3A_126 = arith.index_cast %parallel_loop3A_123 : i32 to index
        %parallel_loop3A_127 = tpu.vector_load %arg6[%parallel_loop3A_125, %parallel_loop3A_126] {strides = array<i32>} : memref<4x4096xf32, #tpu.memory_space<vmem>>, vector<1x16xf32>,
        %parallel_loop3A_128 = vector.shape_cast %parallel_loop3A_127 : vector<1x16xf32> to vector<16xf32>
        %parallel_loop3A_129 = vector.shape_cast %parallel_loop3A_119 : vector<16xf32> to vector<1x16xf32>
        tpu.vector_store %arg6[%parallel_loop3A_125, %parallel_loop3A_126], %parallel_loop3A_129 {strides = array<i32>} : memref<4x4096xf32, #tpu.memory_space<vmem>>, vector<1x16xf32>,
      } {sc.loop_unroll_factor = 8 : i64, sc.parallel_access}
      %parallel_loop3A_54 = arith.constant 0 : i32
      %parallel_loop3A_55 = arith.constant 256 : i32
      %parallel_loop3A_56 = arith.constant 1 : i32
      scf.for %parallel_loop3A_107 = %parallel_loop3A_54 to %parallel_loop3A_55 step %parallel_loop3A_56  : i32 {
        %parallel_loop3A_108 = arith.constant 16 : i32
        %parallel_loop3A_109 = arith.muli %parallel_loop3A_107, %parallel_loop3A_108 : i32
        %parallel_loop3A_110 = arith.constant 3 : i32
        %parallel_loop3A_111 = arith.index_cast %parallel_loop3A_110 : i32 to index
        %parallel_loop3A_112 = arith.index_cast %parallel_loop3A_109 : i32 to index
        %parallel_loop3A_113 = tpu.vector_load %arg4[%parallel_loop3A_111, %parallel_loop3A_112] {strides = array<i32>} : memref<4x4096xf32, #tpu.memory_space<vmem>>, vector<1x16xf32>,
        %parallel_loop3A_114 = vector.shape_cast %parallel_loop3A_113 : vector<1x16xf32> to vector<16xf32>
        %parallel_loop3A_115 = arith.constant 15 : i32
        %parallel_loop3A_116 = vector.broadcast %parallel_loop3A_115 : i32 to vector<16xi32>
        %parallel_loop3A_117 = tpu.iota {dimensions = array<i32: 0>} : vector<16xi32>
        %parallel_loop3A_118 = arith.subi %parallel_loop3A_116, %parallel_loop3A_117 : vector<16xi32>
        %parallel_loop3A_119 = tpu.dynamic_gather %parallel_loop3A_114[%parallel_loop3A_118] in [0] : vector<16xf32>, vector<16xi32> -> vector<16xf32>
        %parallel_loop3A_120 = arith.constant 16 : i32
        %parallel_loop3A_121 = arith.muli %parallel_loop3A_107, %parallel_loop3A_120 : i32
        %parallel_loop3A_122 = arith.constant 4080 : i32
        %parallel_loop3A_123 = arith.subi %parallel_loop3A_122, %parallel_loop3A_121 : i32
        %parallel_loop3A_124 = arith.constant 3 : i32
        %parallel_loop3A_125 = arith.index_cast %parallel_loop3A_124 : i32 to index
        %parallel_loop3A_126 = arith.index_cast %parallel_loop3A_123 : i32 to index
        %parallel_loop3A_127 = tpu.vector_load %arg6[%parallel_loop3A_125, %parallel_loop3A_126] {strides = array<i32>} : memref<4x4096xf32, #tpu.memory_space<vmem>>, vector<1x16xf32>,
        %parallel_loop3A_128 = vector.shape_cast %parallel_loop3A_127 : vector<1x16xf32> to vector<16xf32>
        %parallel_loop3A_129 = vector.shape_cast %parallel_loop3A_119 : vector<16xf32> to vector<1x16xf32>
        tpu.vector_store %arg6[%parallel_loop3A_125, %parallel_loop3A_126], %parallel_loop3A_129 {strides = array<i32>} : memref<4x4096xf32, #tpu.memory_space<vmem>>, vector<1x16xf32>,
      } {sc.loop_unroll_factor = 8 : i64, sc.parallel_access}
      %mul3A_57 = arith.constant 4 : i32
      %mul3A_58 = arith.muli %add3A_30, %mul3A_57 : i32
      %add3A_59 = arith.addi %mul3A_2, %mul3A_58 : i32
      %dma_start3A_60 = arith.constant 0 : i32
      %dma_start3A_61 = tpu.memref_slice %arg3[%add3A_59, %dma_start3A_60] : memref<8192x4096xf32, #tpu.memory_space<hbm>> -> memref<4x4096xf32, #tpu.memory_space<hbm>>
      %dma_start3A_62 = arith.constant 0 : i32
      %dma_start3A_63 = tpu.memref_slice %arg3[%add3A_59, %dma_start3A_62] : memref<8192x4096xf32, #tpu.memory_space<hbm>> -> memref<4x4096xf32, #tpu.memory_space<hbm>>
      tpu.enqueue_dma source(%arg6 : memref<4x4096xf32, #tpu.memory_space<vmem>>) target(%dma_start3A_63 : memref<4x4096xf32, #tpu.memory_space<hbm>>) target_semaphore(%arg10 : memref<!tpu.dma_semaphore, #tpu.memory_space<semaphore_mem>>)
      %mul3A_64 = arith.constant 2 : i32
      %mul3A_65 = arith.muli %mul3A_64, %scan3A_25 : i32
      %add3A_66 = arith.constant 1 : i32
      %add3A_67 = arith.addi %mul3A_65, %add3A_66 : i32
      %add3A_68 = arith.constant 1 : i32
      %add3A_69 = arith.addi %add3A_67, %add3A_68 : i32
      %lt3A_70 = arith.constant 8 : i32
      %lt3A_71 = arith.cmpi slt, %add3A_69, %lt3A_70 : i32
      %convert_element_type3A_72 = arith.extui %lt3A_71 : i1 to i32
      %cond3A_73 = arith.constant 0 : i32
      %cond3A_74 = arith.cmpi ne, %convert_element_type3A_72, %cond3A_73 : i32
      scf.if %cond3A_74 {
        %add3A_107 = arith.constant 1 : i32
        %add3A_108 = arith.addi %add3A_67, %add3A_107 : i32
        %mul3A_109 = arith.constant 4 : i32
        %mul3A_110 = arith.muli %add3A_108, %mul3A_109 : i32
        %add3A_111 = arith.addi %mul3A_2, %mul3A_110 : i32
        %dma_start3A_112 = arith.constant 0 : i32
        %dma_start3A_113 = tpu.memref_slice %arg2[%add3A_111, %dma_start3A_112] : memref<8192x4096xf32, #tpu.memory_space<hbm>> -> memref<4x4096xf32, #tpu.memory_space<hbm>>
        %dma_start3A_114 = arith.constant 0 : i32
        %dma_start3A_115 = tpu.memref_slice %arg2[%add3A_111, %dma_start3A_114] : memref<8192x4096xf32, #tpu.memory_space<hbm>> -> memref<4x4096xf32, #tpu.memory_space<hbm>>
        tpu.enqueue_dma source(%dma_start3A_115 : memref<4x4096xf32, #tpu.memory_space<hbm>>) target(%arg4 : memref<4x4096xf32, #tpu.memory_space<vmem>>) target_semaphore(%arg8 : memref<!tpu.dma_semaphore, #tpu.memory_space<semaphore_mem>>)
      } else {
      }
      %mul3A_75 = arith.constant 4 : i32
      %mul3A_76 = arith.muli %add3A_67, %mul3A_75 : i32
      %add3A_77 = arith.addi %mul3A_2, %mul3A_76 : i32
      %dma_wait3A_78 = arith.constant 0 : i32
      %dma_wait3A_79 = tpu.memref_slice %arg2[%add3A_77, %dma_wait3A_78] : memref<8192x4096xf32, #tpu.memory_space<hbm>> -> memref<4x4096xf32, #tpu.memory_space<hbm>>
      %dma_wait3A_80 = arith.constant 0 : i32
      %dma_wait3A_81 = tpu.memref_slice %arg2[%add3A_77, %dma_wait3A_80] : memref<8192x4096xf32, #tpu.memory_space<hbm>> -> memref<4x4096xf32, #tpu.memory_space<hbm>>
      tpu.wait_dma2 semaphore(%arg9 : memref<!tpu.dma_semaphore, #tpu.memory_space<semaphore_mem>>) src(%dma_wait3A_81 : memref<4x4096xf32, #tpu.memory_space<hbm>>) dst(%arg5 : memref<4x4096xf32, #tpu.memory_space<vmem>>)
      %ge3A_82 = arith.constant 2 : i32
      %ge3A_83 = arith.cmpi sge, %add3A_67, %ge3A_82 : i32
      %convert_element_type3A_84 = arith.extui %ge3A_83 : i1 to i32
      %cond3A_85 = arith.constant 0 : i32
      %cond3A_86 = arith.cmpi ne, %convert_element_type3A_84, %cond3A_85 : i32
      scf.if %cond3A_86 {
        %mul3A_107 = arith.constant 4 : i32
        %mul3A_108 = arith.muli %add3A_67, %mul3A_107 : i32
        %add3A_109 = arith.addi %mul3A_2, %mul3A_108 : i32
        %dma_wait3A_110 = arith.constant 0 : i32
        %dma_wait3A_111 = tpu.memref_slice %arg3[%add3A_109, %dma_wait3A_110] : memref<8192x4096xf32, #tpu.memory_space<hbm>> -> memref<4x4096xf32, #tpu.memory_space<hbm>>
        %dma_wait3A_112 = arith.constant 0 : i32
        %dma_wait3A_113 = tpu.memref_slice %arg3[%add3A_109, %dma_wait3A_112] : memref<8192x4096xf32, #tpu.memory_space<hbm>> -> memref<4x4096xf32, #tpu.memory_space<hbm>>
        tpu.wait_dma2 semaphore(%arg11 : memref<!tpu.dma_semaphore, #tpu.memory_space<semaphore_mem>>) src(%arg7 : memref<4x4096xf32, #tpu.memory_space<vmem>>) dst(%dma_wait3A_113 : memref<4x4096xf32, #tpu.memory_space<hbm>>)
      } else {
      }
      %parallel_loop3A_87 = arith.constant 0 : i32
      %parallel_loop3A_88 = arith.constant 256 : i32
      %parallel_loop3A_89 = arith.constant 1 : i32
      scf.for %parallel_loop3A_107 = %parallel_loop3A_87 to %parallel_loop3A_88 step %parallel_loop3A_89  : i32 {
        %parallel_loop3A_108 = arith.constant 16 : i32
        %parallel_loop3A_109 = arith.muli %parallel_loop3A_107, %parallel_loop3A_108 : i32
        %parallel_loop3A_110 = arith.constant 0 : i32
        %parallel_loop3A_111 = arith.index_cast %parallel_loop3A_110 : i32 to index
        %parallel_loop3A_112 = arith.index_cast %parallel_loop3A_109 : i32 to index
        %parallel_loop3A_113 = tpu.vector_load %arg5[%parallel_loop3A_111, %parallel_loop3A_112] {strides = array<i32>} : memref<4x4096xf32, #tpu.memory_space<vmem>>, vector<1x16xf32>,
        %parallel_loop3A_114 = vector.shape_cast %parallel_loop3A_113 : vector<1x16xf32> to vector<16xf32>
        %parallel_loop3A_115 = arith.constant 15 : i32
        %parallel_loop3A_116 = vector.broadcast %parallel_loop3A_115 : i32 to vector<16xi32>
        %parallel_loop3A_117 = tpu.iota {dimensions = array<i32: 0>} : vector<16xi32>
        %parallel_loop3A_118 = arith.subi %parallel_loop3A_116, %parallel_loop3A_117 : vector<16xi32>
        %parallel_loop3A_119 = tpu.dynamic_gather %parallel_loop3A_114[%parallel_loop3A_118] in [0] : vector<16xf32>, vector<16xi32> -> vector<16xf32>
        %parallel_loop3A_120 = arith.constant 16 : i32
        %parallel_loop3A_121 = arith.muli %parallel_loop3A_107, %parallel_loop3A_120 : i32
        %parallel_loop3A_122 = arith.constant 4080 : i32
        %parallel_loop3A_123 = arith.subi %parallel_loop3A_122, %parallel_loop3A_121 : i32
        %parallel_loop3A_124 = arith.constant 0 : i32
        %parallel_loop3A_125 = arith.index_cast %parallel_loop3A_124 : i32 to index
        %parallel_loop3A_126 = arith.index_cast %parallel_loop3A_123 : i32 to index
        %parallel_loop3A_127 = tpu.vector_load %arg7[%parallel_loop3A_125, %parallel_loop3A_126] {strides = array<i32>} : memref<4x4096xf32, #tpu.memory_space<vmem>>, vector<1x16xf32>,
        %parallel_loop3A_128 = vector.shape_cast %parallel_loop3A_127 : vector<1x16xf32> to vector<16xf32>
        %parallel_loop3A_129 = vector.shape_cast %parallel_loop3A_119 : vector<16xf32> to vector<1x16xf32>
        tpu.vector_store %arg7[%parallel_loop3A_125, %parallel_loop3A_126], %parallel_loop3A_129 {strides = array<i32>} : memref<4x4096xf32, #tpu.memory_space<vmem>>, vector<1x16xf32>,
      } {sc.loop_unroll_factor = 8 : i64, sc.parallel_access}
      %parallel_loop3A_90 = arith.constant 0 : i32
      %parallel_loop3A_91 = arith.constant 256 : i32
      %parallel_loop3A_92 = arith.constant 1 : i32
      scf.for %parallel_loop3A_107 = %parallel_loop3A_90 to %parallel_loop3A_91 step %parallel_loop3A_92  : i32 {
        %parallel_loop3A_108 = arith.constant 16 : i32
        %parallel_loop3A_109 = arith.muli %parallel_loop3A_107, %parallel_loop3A_108 : i32
        %parallel_loop3A_110 = arith.constant 1 : i32
        %parallel_loop3A_111 = arith.index_cast %parallel_loop3A_110 : i32 to index
        %parallel_loop3A_112 = arith.index_cast %parallel_loop3A_109 : i32 to index
        %parallel_loop3A_113 = tpu.vector_load %arg5[%parallel_loop3A_111, %parallel_loop3A_112] {strides = array<i32>} : memref<4x4096xf32, #tpu.memory_space<vmem>>, vector<1x16xf32>,
        %parallel_loop3A_114 = vector.shape_cast %parallel_loop3A_113 : vector<1x16xf32> to vector<16xf32>
        %parallel_loop3A_115 = arith.constant 15 : i32
        %parallel_loop3A_116 = vector.broadcast %parallel_loop3A_115 : i32 to vector<16xi32>
        %parallel_loop3A_117 = tpu.iota {dimensions = array<i32: 0>} : vector<16xi32>
        %parallel_loop3A_118 = arith.subi %parallel_loop3A_116, %parallel_loop3A_117 : vector<16xi32>
        %parallel_loop3A_119 = tpu.dynamic_gather %parallel_loop3A_114[%parallel_loop3A_118] in [0] : vector<16xf32>, vector<16xi32> -> vector<16xf32>
        %parallel_loop3A_120 = arith.constant 16 : i32
        %parallel_loop3A_121 = arith.muli %parallel_loop3A_107, %parallel_loop3A_120 : i32
        %parallel_loop3A_122 = arith.constant 4080 : i32
        %parallel_loop3A_123 = arith.subi %parallel_loop3A_122, %parallel_loop3A_121 : i32
        %parallel_loop3A_124 = arith.constant 1 : i32
        %parallel_loop3A_125 = arith.index_cast %parallel_loop3A_124 : i32 to index
        %parallel_loop3A_126 = arith.index_cast %parallel_loop3A_123 : i32 to index
        %parallel_loop3A_127 = tpu.vector_load %arg7[%parallel_loop3A_125, %parallel_loop3A_126] {strides = array<i32>} : memref<4x4096xf32, #tpu.memory_space<vmem>>, vector<1x16xf32>,
        %parallel_loop3A_128 = vector.shape_cast %parallel_loop3A_127 : vector<1x16xf32> to vector<16xf32>
        %parallel_loop3A_129 = vector.shape_cast %parallel_loop3A_119 : vector<16xf32> to vector<1x16xf32>
        tpu.vector_store %arg7[%parallel_loop3A_125, %parallel_loop3A_126], %parallel_loop3A_129 {strides = array<i32>} : memref<4x4096xf32, #tpu.memory_space<vmem>>, vector<1x16xf32>,
      } {sc.loop_unroll_factor = 8 : i64, sc.parallel_access}
      %parallel_loop3A_93 = arith.constant 0 : i32
      %parallel_loop3A_94 = arith.constant 256 : i32
      %parallel_loop3A_95 = arith.constant 1 : i32
      scf.for %parallel_loop3A_107 = %parallel_loop3A_93 to %parallel_loop3A_94 step %parallel_loop3A_95  : i32 {
        %parallel_loop3A_108 = arith.constant 16 : i32
        %parallel_loop3A_109 = arith.muli %parallel_loop3A_107, %parallel_loop3A_108 : i32
        %parallel_loop3A_110 = arith.constant 2 : i32
        %parallel_loop3A_111 = arith.index_cast %parallel_loop3A_110 : i32 to index
        %parallel_loop3A_112 = arith.index_cast %parallel_loop3A_109 : i32 to index
        %parallel_loop3A_113 = tpu.vector_load %arg5[%parallel_loop3A_111, %parallel_loop3A_112] {strides = array<i32>} : memref<4x4096xf32, #tpu.memory_space<vmem>>, vector<1x16xf32>,
        %parallel_loop3A_114 = vector.shape_cast %parallel_loop3A_113 : vector<1x16xf32> to vector<16xf32>
        %parallel_loop3A_115 = arith.constant 15 : i32
        %parallel_loop3A_116 = vector.broadcast %parallel_loop3A_115 : i32 to vector<16xi32>
        %parallel_loop3A_117 = tpu.iota {dimensions = array<i32: 0>} : vector<16xi32>
        %parallel_loop3A_118 = arith.subi %parallel_loop3A_116, %parallel_loop3A_117 : vector<16xi32>
        %parallel_loop3A_119 = tpu.dynamic_gather %parallel_loop3A_114[%parallel_loop3A_118] in [0] : vector<16xf32>, vector<16xi32> -> vector<16xf32>
        %parallel_loop3A_120 = arith.constant 16 : i32
        %parallel_loop3A_121 = arith.muli %parallel_loop3A_107, %parallel_loop3A_120 : i32
        %parallel_loop3A_122 = arith.constant 4080 : i32
        %parallel_loop3A_123 = arith.subi %parallel_loop3A_122, %parallel_loop3A_121 : i32
        %parallel_loop3A_124 = arith.constant 2 : i32
        %parallel_loop3A_125 = arith.index_cast %parallel_loop3A_124 : i32 to index
        %parallel_loop3A_126 = arith.index_cast %parallel_loop3A_123 : i32 to index
        %parallel_loop3A_127 = tpu.vector_load %arg7[%parallel_loop3A_125, %parallel_loop3A_126] {strides = array<i32>} : memref<4x4096xf32, #tpu.memory_space<vmem>>, vector<1x16xf32>,
        %parallel_loop3A_128 = vector.shape_cast %parallel_loop3A_127 : vector<1x16xf32> to vector<16xf32>
        %parallel_loop3A_129 = vector.shape_cast %parallel_loop3A_119 : vector<16xf32> to vector<1x16xf32>
        tpu.vector_store %arg7[%parallel_loop3A_125, %parallel_loop3A_126], %parallel_loop3A_129 {strides = array<i32>} : memref<4x4096xf32, #tpu.memory_space<vmem>>, vector<1x16xf32>,
      } {sc.loop_unroll_factor = 8 : i64, sc.parallel_access}
      %parallel_loop3A_96 = arith.constant 0 : i32
      %parallel_loop3A_97 = arith.constant 256 : i32
      %parallel_loop3A_98 = arith.constant 1 : i32
      scf.for %parallel_loop3A_107 = %parallel_loop3A_96 to %parallel_loop3A_97 step %parallel_loop3A_98  : i32 {
        %parallel_loop3A_108 = arith.constant 16 : i32
        %parallel_loop3A_109 = arith.muli %parallel_loop3A_107, %parallel_loop3A_108 : i32
        %parallel_loop3A_110 = arith.constant 3 : i32
        %parallel_loop3A_111 = arith.index_cast %parallel_loop3A_110 : i32 to index
        %parallel_loop3A_112 = arith.index_cast %parallel_loop3A_109 : i32 to index
        %parallel_loop3A_113 = tpu.vector_load %arg5[%parallel_loop3A_111, %parallel_loop3A_112] {strides = array<i32>} : memref<4x4096xf32, #tpu.memory_space<vmem>>, vector<1x16xf32>,
        %parallel_loop3A_114 = vector.shape_cast %parallel_loop3A_113 : vector<1x16xf32> to vector<16xf32>
        %parallel_loop3A_115 = arith.constant 15 : i32
        %parallel_loop3A_116 = vector.broadcast %parallel_loop3A_115 : i32 to vector<16xi32>
        %parallel_loop3A_117 = tpu.iota {dimensions = array<i32: 0>} : vector<16xi32>
        %parallel_loop3A_118 = arith.subi %parallel_loop3A_116, %parallel_loop3A_117 : vector<16xi32>
        %parallel_loop3A_119 = tpu.dynamic_gather %parallel_loop3A_114[%parallel_loop3A_118] in [0] : vector<16xf32>, vector<16xi32> -> vector<16xf32>
        %parallel_loop3A_120 = arith.constant 16 : i32
        %parallel_loop3A_121 = arith.muli %parallel_loop3A_107, %parallel_loop3A_120 : i32
        %parallel_loop3A_122 = arith.constant 4080 : i32
        %parallel_loop3A_123 = arith.subi %parallel_loop3A_122, %parallel_loop3A_121 : i32
        %parallel_loop3A_124 = arith.constant 3 : i32
        %parallel_loop3A_125 = arith.index_cast %parallel_loop3A_124 : i32 to index
        %parallel_loop3A_126 = arith.index_cast %parallel_loop3A_123 : i32 to index
        %parallel_loop3A_127 = tpu.vector_load %arg7[%parallel_loop3A_125, %parallel_loop3A_126] {strides = array<i32>} : memref<4x4096xf32, #tpu.memory_space<vmem>>, vector<1x16xf32>,
        %parallel_loop3A_128 = vector.shape_cast %parallel_loop3A_127 : vector<1x16xf32> to vector<16xf32>
        %parallel_loop3A_129 = vector.shape_cast %parallel_loop3A_119 : vector<16xf32> to vector<1x16xf32>
        tpu.vector_store %arg7[%parallel_loop3A_125, %parallel_loop3A_126], %parallel_loop3A_129 {strides = array<i32>} : memref<4x4096xf32, #tpu.memory_space<vmem>>, vector<1x16xf32>,
      } {sc.loop_unroll_factor = 8 : i64, sc.parallel_access}
      %mul3A_99 = arith.constant 4 : i32
      %mul3A_100 = arith.muli %add3A_67, %mul3A_99 : i32
      %add3A_101 = arith.addi %mul3A_2, %mul3A_100 : i32
      %dma_start3A_102 = arith.constant 0 : i32
      %dma_start3A_103 = tpu.memref_slice %arg3[%add3A_101, %dma_start3A_102] : memref<8192x4096xf32, #tpu.memory_space<hbm>> -> memref<4x4096xf32, #tpu.memory_space<hbm>>
      %dma_start3A_104 = arith.constant 0 : i32
      %dma_start3A_105 = tpu.memref_slice %arg3[%add3A_101, %dma_start3A_104] : memref<8192x4096xf32, #tpu.memory_space<hbm>> -> memref<4x4096xf32, #tpu.memory_space<hbm>>
      tpu.enqueue_dma source(%arg7 : memref<4x4096xf32, #tpu.memory_space<vmem>>) target(%dma_start3A_105 : memref<4x4096xf32, #tpu.memory_space<hbm>>) target_semaphore(%arg11 : memref<!tpu.dma_semaphore, #tpu.memory_space<semaphore_mem>>)
      %scan3A_106 = arith.constant 0 : i32
      scf.yield %scan3A_106 : i32
    }
    %scan3A_13 = arith.constant 4 : i32
    %add3A_14 = arith.constant 24 : i32
    %add3A_15 = arith.addi %mul3A_2, %add3A_14 : i32
    %dma_wait3A = arith.constant 0 : i32
    %dma_wait3A_16 = tpu.memref_slice %arg3[%add3A_15, %dma_wait3A] : memref<8192x4096xf32, #tpu.memory_space<hbm>> -> memref<4x4096xf32, #tpu.memory_space<hbm>>
    %dma_wait3A_17 = arith.constant 0 : i32
    %dma_wait3A_18 = tpu.memref_slice %arg3[%add3A_15, %dma_wait3A_17] : memref<8192x4096xf32, #tpu.memory_space<hbm>> -> memref<4x4096xf32, #tpu.memory_space<hbm>>
    tpu.wait_dma2 semaphore(%arg10 : memref<!tpu.dma_semaphore, #tpu.memory_space<semaphore_mem>>) src(%arg6 : memref<4x4096xf32, #tpu.memory_space<vmem>>) dst(%dma_wait3A_18 : memref<4x4096xf32, #tpu.memory_space<hbm>>)
    %add3A_19 = arith.constant 28 : i32
    %add3A_20 = arith.addi %mul3A_2, %add3A_19 : i32
    %dma_wait3A_21 = arith.constant 0 : i32
    %dma_wait3A_22 = tpu.memref_slice %arg3[%add3A_20, %dma_wait3A_21] : memref<8192x4096xf32, #tpu.memory_space<hbm>> -> memref<4x4096xf32, #tpu.memory_space<hbm>>
    %dma_wait3A_23 = arith.constant 0 : i32
    %dma_wait3A_24 = tpu.memref_slice %arg3[%add3A_20, %dma_wait3A_23] : memref<8192x4096xf32, #tpu.memory_space<hbm>> -> memref<4x4096xf32, #tpu.memory_space<hbm>>
    tpu.wait_dma2 semaphore(%arg11 : memref<!tpu.dma_semaphore, #tpu.memory_space<semaphore_mem>>) src(%arg7 : memref<4x4096xf32, #tpu.memory_space<vmem>>) dst(%dma_wait3A_24 : memref<4x4096xf32, #tpu.memory_space<hbm>>)
    return
  }
}

module attributes {stable_mosaic.version = 14 : i64} {
  func.func @_tc_body(%arg0: i32, %arg1: memref<512x4096xf32, #tpu.memory_space<vmem>>, %arg2: memref<8192x4096xf32, #tpu.memory_space<any>>, %arg3: memref<512x4096xf32, #tpu.memory_space<vmem>>) attributes {dimension_semantics = [#tpu.dimension_semantics<arbitrary>], iteration_bounds = array<i64: 14>, scalar_prefetch = 0 : i64, scratch_operands = 0 : i64, tpu.core_type = #tpu.core_type<tc>, window_params = [{transform_indices = @transform_0, window_bounds = array<i64: 512, 4096>}, {}, {transform_indices = @transform_2, window_bounds = array<i64: 512, 4096>}]} {
    %iota3A = tpu.iota {dimensions = array<i32: 1>} : vector<512x128xi32>
    %sub3A = arith.constant 127 : i32
    %sub3A_0 = vector.broadcast %sub3A : i32 to vector<512x128xi32>
    %sub3A_1 = arith.subi %sub3A_0, %iota3A : vector<512x128xi32>
    %get3A = arith.constant 0 : index
    %get3A_2 = arith.constant 3968 : index
    %get3A_3 = vector.load %arg1[%get3A, %get3A_2] : memref<512x4096xf32, #tpu.memory_space<vmem>>, vector<512x128xf32>
    %lt3A = arith.constant 0 : i32
    %lt3A_4 = vector.broadcast %lt3A : i32 to vector<512x128xi32>
    %lt3A_5 = arith.cmpi slt, %sub3A_1, %lt3A_4 : vector<512x128xi32>
    %add3A = arith.constant 128 : i32
    %add3A_6 = vector.broadcast %add3A : i32 to vector<512x128xi32>
    %add3A_7 = arith.addi %sub3A_1, %add3A_6 : vector<512x128xi32>
    %select_n3A = arith.select %lt3A_5, %add3A_7, %sub3A_1 : vector<512x128xi1>, vector<512x128xi32>
    %reshape3A = vector.shape_cast %select_n3A : vector<512x128xi32> to vector<512x128x1xi32>
    %gather3A = vector.shape_cast %reshape3A : vector<512x128x1xi32> to vector<512x128xi32>
    %gather3A_8 = tpu.dynamic_gather %get3A_3[%gather3A] in [1] : vector<512x128xf32>, vector<512x128xi32> -> vector<512x128xf32>
    %swap3A = arith.constant 0 : index
    %swap3A_9 = arith.constant 0 : index
    %swap3A_10 = vector.load %arg3[%swap3A, %swap3A_9] : memref<512x4096xf32, #tpu.memory_space<vmem>>, vector<512x128xf32>
    tpu.vector_store %arg3[%swap3A, %swap3A_9], %gather3A_8 {strides = array<i32>} : memref<512x4096xf32, #tpu.memory_space<vmem>>, vector<512x128xf32>,
    %get3A_11 = arith.constant 0 : index
    %get3A_12 = arith.constant 3840 : index
    %get3A_13 = vector.load %arg1[%get3A_11, %get3A_12] : memref<512x4096xf32, #tpu.memory_space<vmem>>, vector<512x128xf32>
    %lt3A_14 = arith.constant 0 : i32
    %lt3A_15 = vector.broadcast %lt3A_14 : i32 to vector<512x128xi32>
    %lt3A_16 = arith.cmpi slt, %sub3A_1, %lt3A_15 : vector<512x128xi32>
    %add3A_17 = arith.constant 128 : i32
    %add3A_18 = vector.broadcast %add3A_17 : i32 to vector<512x128xi32>
    %add3A_19 = arith.addi %sub3A_1, %add3A_18 : vector<512x128xi32>
    %select_n3A_20 = arith.select %lt3A_16, %add3A_19, %sub3A_1 : vector<512x128xi1>, vector<512x128xi32>
    %reshape3A_21 = vector.shape_cast %select_n3A_20 : vector<512x128xi32> to vector<512x128x1xi32>
    %gather3A_22 = vector.shape_cast %reshape3A_21 : vector<512x128x1xi32> to vector<512x128xi32>
    %gather3A_23 = tpu.dynamic_gather %get3A_13[%gather3A_22] in [1] : vector<512x128xf32>, vector<512x128xi32> -> vector<512x128xf32>
    %swap3A_24 = arith.constant 0 : index
    %swap3A_25 = arith.constant 128 : index
    %swap3A_26 = vector.load %arg3[%swap3A_24, %swap3A_25] : memref<512x4096xf32, #tpu.memory_space<vmem>>, vector<512x128xf32>
    tpu.vector_store %arg3[%swap3A_24, %swap3A_25], %gather3A_23 {strides = array<i32>} : memref<512x4096xf32, #tpu.memory_space<vmem>>, vector<512x128xf32>,
    %get3A_27 = arith.constant 0 : index
    %get3A_28 = arith.constant 3712 : index
    %get3A_29 = vector.load %arg1[%get3A_27, %get3A_28] : memref<512x4096xf32, #tpu.memory_space<vmem>>, vector<512x128xf32>
    %lt3A_30 = arith.constant 0 : i32
    %lt3A_31 = vector.broadcast %lt3A_30 : i32 to vector<512x128xi32>
    %lt3A_32 = arith.cmpi slt, %sub3A_1, %lt3A_31 : vector<512x128xi32>
    %add3A_33 = arith.constant 128 : i32
    %add3A_34 = vector.broadcast %add3A_33 : i32 to vector<512x128xi32>
    %add3A_35 = arith.addi %sub3A_1, %add3A_34 : vector<512x128xi32>
    %select_n3A_36 = arith.select %lt3A_32, %add3A_35, %sub3A_1 : vector<512x128xi1>, vector<512x128xi32>
    %reshape3A_37 = vector.shape_cast %select_n3A_36 : vector<512x128xi32> to vector<512x128x1xi32>
    %gather3A_38 = vector.shape_cast %reshape3A_37 : vector<512x128x1xi32> to vector<512x128xi32>
    %gather3A_39 = tpu.dynamic_gather %get3A_29[%gather3A_38] in [1] : vector<512x128xf32>, vector<512x128xi32> -> vector<512x128xf32>
    %swap3A_40 = arith.constant 0 : index
    %swap3A_41 = arith.constant 256 : index
    %swap3A_42 = vector.load %arg3[%swap3A_40, %swap3A_41] : memref<512x4096xf32, #tpu.memory_space<vmem>>, vector<512x128xf32>
    tpu.vector_store %arg3[%swap3A_40, %swap3A_41], %gather3A_39 {strides = array<i32>} : memref<512x4096xf32, #tpu.memory_space<vmem>>, vector<512x128xf32>,
    %get3A_43 = arith.constant 0 : index
    %get3A_44 = arith.constant 3584 : index
    %get3A_45 = vector.load %arg1[%get3A_43, %get3A_44] : memref<512x4096xf32, #tpu.memory_space<vmem>>, vector<512x128xf32>
    %lt3A_46 = arith.constant 0 : i32
    %lt3A_47 = vector.broadcast %lt3A_46 : i32 to vector<512x128xi32>
    %lt3A_48 = arith.cmpi slt, %sub3A_1, %lt3A_47 : vector<512x128xi32>
    %add3A_49 = arith.constant 128 : i32
    %add3A_50 = vector.broadcast %add3A_49 : i32 to vector<512x128xi32>
    %add3A_51 = arith.addi %sub3A_1, %add3A_50 : vector<512x128xi32>
    %select_n3A_52 = arith.select %lt3A_48, %add3A_51, %sub3A_1 : vector<512x128xi1>, vector<512x128xi32>
    %reshape3A_53 = vector.shape_cast %select_n3A_52 : vector<512x128xi32> to vector<512x128x1xi32>
    %gather3A_54 = vector.shape_cast %reshape3A_53 : vector<512x128x1xi32> to vector<512x128xi32>
    %gather3A_55 = tpu.dynamic_gather %get3A_45[%gather3A_54] in [1] : vector<512x128xf32>, vector<512x128xi32> -> vector<512x128xf32>
    %swap3A_56 = arith.constant 0 : index
    %swap3A_57 = arith.constant 384 : index
    %swap3A_58 = vector.load %arg3[%swap3A_56, %swap3A_57] : memref<512x4096xf32, #tpu.memory_space<vmem>>, vector<512x128xf32>
    tpu.vector_store %arg3[%swap3A_56, %swap3A_57], %gather3A_55 {strides = array<i32>} : memref<512x4096xf32, #tpu.memory_space<vmem>>, vector<512x128xf32>,
    %get3A_59 = arith.constant 0 : index
    %get3A_60 = arith.constant 3456 : index
    %get3A_61 = vector.load %arg1[%get3A_59, %get3A_60] : memref<512x4096xf32, #tpu.memory_space<vmem>>, vector<512x128xf32>
    %lt3A_62 = arith.constant 0 : i32
    %lt3A_63 = vector.broadcast %lt3A_62 : i32 to vector<512x128xi32>
    %lt3A_64 = arith.cmpi slt, %sub3A_1, %lt3A_63 : vector<512x128xi32>
    %add3A_65 = arith.constant 128 : i32
    %add3A_66 = vector.broadcast %add3A_65 : i32 to vector<512x128xi32>
    %add3A_67 = arith.addi %sub3A_1, %add3A_66 : vector<512x128xi32>
    %select_n3A_68 = arith.select %lt3A_64, %add3A_67, %sub3A_1 : vector<512x128xi1>, vector<512x128xi32>
    %reshape3A_69 = vector.shape_cast %select_n3A_68 : vector<512x128xi32> to vector<512x128x1xi32>
    %gather3A_70 = vector.shape_cast %reshape3A_69 : vector<512x128x1xi32> to vector<512x128xi32>
    %gather3A_71 = tpu.dynamic_gather %get3A_61[%gather3A_70] in [1] : vector<512x128xf32>, vector<512x128xi32> -> vector<512x128xf32>
    %swap3A_72 = arith.constant 0 : index
    %swap3A_73 = arith.constant 512 : index
    %swap3A_74 = vector.load %arg3[%swap3A_72, %swap3A_73] : memref<512x4096xf32, #tpu.memory_space<vmem>>, vector<512x128xf32>
    tpu.vector_store %arg3[%swap3A_72, %swap3A_73], %gather3A_71 {strides = array<i32>} : memref<512x4096xf32, #tpu.memory_space<vmem>>, vector<512x128xf32>,
    %get3A_75 = arith.constant 0 : index
    %get3A_76 = arith.constant 3328 : index
    %get3A_77 = vector.load %arg1[%get3A_75, %get3A_76] : memref<512x4096xf32, #tpu.memory_space<vmem>>, vector<512x128xf32>
    %lt3A_78 = arith.constant 0 : i32
    %lt3A_79 = vector.broadcast %lt3A_78 : i32 to vector<512x128xi32>
    %lt3A_80 = arith.cmpi slt, %sub3A_1, %lt3A_79 : vector<512x128xi32>
    %add3A_81 = arith.constant 128 : i32
    %add3A_82 = vector.broadcast %add3A_81 : i32 to vector<512x128xi32>
    %add3A_83 = arith.addi %sub3A_1, %add3A_82 : vector<512x128xi32>
    %select_n3A_84 = arith.select %lt3A_80, %add3A_83, %sub3A_1 : vector<512x128xi1>, vector<512x128xi32>
    %reshape3A_85 = vector.shape_cast %select_n3A_84 : vector<512x128xi32> to vector<512x128x1xi32>
    %gather3A_86 = vector.shape_cast %reshape3A_85 : vector<512x128x1xi32> to vector<512x128xi32>
    %gather3A_87 = tpu.dynamic_gather %get3A_77[%gather3A_86] in [1] : vector<512x128xf32>, vector<512x128xi32> -> vector<512x128xf32>
    %swap3A_88 = arith.constant 0 : index
    %swap3A_89 = arith.constant 640 : index
    %swap3A_90 = vector.load %arg3[%swap3A_88, %swap3A_89] : memref<512x4096xf32, #tpu.memory_space<vmem>>, vector<512x128xf32>
    tpu.vector_store %arg3[%swap3A_88, %swap3A_89], %gather3A_87 {strides = array<i32>} : memref<512x4096xf32, #tpu.memory_space<vmem>>, vector<512x128xf32>,
    %get3A_91 = arith.constant 0 : index
    %get3A_92 = arith.constant 3200 : index
    %get3A_93 = vector.load %arg1[%get3A_91, %get3A_92] : memref<512x4096xf32, #tpu.memory_space<vmem>>, vector<512x128xf32>
    %lt3A_94 = arith.constant 0 : i32
    %lt3A_95 = vector.broadcast %lt3A_94 : i32 to vector<512x128xi32>
    %lt3A_96 = arith.cmpi slt, %sub3A_1, %lt3A_95 : vector<512x128xi32>
    %add3A_97 = arith.constant 128 : i32
    %add3A_98 = vector.broadcast %add3A_97 : i32 to vector<512x128xi32>
    %add3A_99 = arith.addi %sub3A_1, %add3A_98 : vector<512x128xi32>
    %select_n3A_100 = arith.select %lt3A_96, %add3A_99, %sub3A_1 : vector<512x128xi1>, vector<512x128xi32>
    %reshape3A_101 = vector.shape_cast %select_n3A_100 : vector<512x128xi32> to vector<512x128x1xi32>
    %gather3A_102 = vector.shape_cast %reshape3A_101 : vector<512x128x1xi32> to vector<512x128xi32>
    %gather3A_103 = tpu.dynamic_gather %get3A_93[%gather3A_102] in [1] : vector<512x128xf32>, vector<512x128xi32> -> vector<512x128xf32>
    %swap3A_104 = arith.constant 0 : index
    %swap3A_105 = arith.constant 768 : index
    %swap3A_106 = vector.load %arg3[%swap3A_104, %swap3A_105] : memref<512x4096xf32, #tpu.memory_space<vmem>>, vector<512x128xf32>
    tpu.vector_store %arg3[%swap3A_104, %swap3A_105], %gather3A_103 {strides = array<i32>} : memref<512x4096xf32, #tpu.memory_space<vmem>>, vector<512x128xf32>,
    %get3A_107 = arith.constant 0 : index
    %get3A_108 = arith.constant 3072 : index
    %get3A_109 = vector.load %arg1[%get3A_107, %get3A_108] : memref<512x4096xf32, #tpu.memory_space<vmem>>, vector<512x128xf32>
    %lt3A_110 = arith.constant 0 : i32
    %lt3A_111 = vector.broadcast %lt3A_110 : i32 to vector<512x128xi32>
    %lt3A_112 = arith.cmpi slt, %sub3A_1, %lt3A_111 : vector<512x128xi32>
    %add3A_113 = arith.constant 128 : i32
    %add3A_114 = vector.broadcast %add3A_113 : i32 to vector<512x128xi32>
    %add3A_115 = arith.addi %sub3A_1, %add3A_114 : vector<512x128xi32>
    %select_n3A_116 = arith.select %lt3A_112, %add3A_115, %sub3A_1 : vector<512x128xi1>, vector<512x128xi32>
    %reshape3A_117 = vector.shape_cast %select_n3A_116 : vector<512x128xi32> to vector<512x128x1xi32>
    %gather3A_118 = vector.shape_cast %reshape3A_117 : vector<512x128x1xi32> to vector<512x128xi32>
    %gather3A_119 = tpu.dynamic_gather %get3A_109[%gather3A_118] in [1] : vector<512x128xf32>, vector<512x128xi32> -> vector<512x128xf32>
    %swap3A_120 = arith.constant 0 : index
    %swap3A_121 = arith.constant 896 : index
    %swap3A_122 = vector.load %arg3[%swap3A_120, %swap3A_121] : memref<512x4096xf32, #tpu.memory_space<vmem>>, vector<512x128xf32>
    tpu.vector_store %arg3[%swap3A_120, %swap3A_121], %gather3A_119 {strides = array<i32>} : memref<512x4096xf32, #tpu.memory_space<vmem>>, vector<512x128xf32>,
    %get3A_123 = arith.constant 0 : index
    %get3A_124 = arith.constant 2944 : index
    %get3A_125 = vector.load %arg1[%get3A_123, %get3A_124] : memref<512x4096xf32, #tpu.memory_space<vmem>>, vector<512x128xf32>
    %lt3A_126 = arith.constant 0 : i32
    %lt3A_127 = vector.broadcast %lt3A_126 : i32 to vector<512x128xi32>
    %lt3A_128 = arith.cmpi slt, %sub3A_1, %lt3A_127 : vector<512x128xi32>
    %add3A_129 = arith.constant 128 : i32
    %add3A_130 = vector.broadcast %add3A_129 : i32 to vector<512x128xi32>
    %add3A_131 = arith.addi %sub3A_1, %add3A_130 : vector<512x128xi32>
    %select_n3A_132 = arith.select %lt3A_128, %add3A_131, %sub3A_1 : vector<512x128xi1>, vector<512x128xi32>
    %reshape3A_133 = vector.shape_cast %select_n3A_132 : vector<512x128xi32> to vector<512x128x1xi32>
    %gather3A_134 = vector.shape_cast %reshape3A_133 : vector<512x128x1xi32> to vector<512x128xi32>
    %gather3A_135 = tpu.dynamic_gather %get3A_125[%gather3A_134] in [1] : vector<512x128xf32>, vector<512x128xi32> -> vector<512x128xf32>
    %swap3A_136 = arith.constant 0 : index
    %swap3A_137 = arith.constant 1024 : index
    %swap3A_138 = vector.load %arg3[%swap3A_136, %swap3A_137] : memref<512x4096xf32, #tpu.memory_space<vmem>>, vector<512x128xf32>
    tpu.vector_store %arg3[%swap3A_136, %swap3A_137], %gather3A_135 {strides = array<i32>} : memref<512x4096xf32, #tpu.memory_space<vmem>>, vector<512x128xf32>,
    %get3A_139 = arith.constant 0 : index
    %get3A_140 = arith.constant 2816 : index
    %get3A_141 = vector.load %arg1[%get3A_139, %get3A_140] : memref<512x4096xf32, #tpu.memory_space<vmem>>, vector<512x128xf32>
    %lt3A_142 = arith.constant 0 : i32
    %lt3A_143 = vector.broadcast %lt3A_142 : i32 to vector<512x128xi32>
    %lt3A_144 = arith.cmpi slt, %sub3A_1, %lt3A_143 : vector<512x128xi32>
    %add3A_145 = arith.constant 128 : i32
    %add3A_146 = vector.broadcast %add3A_145 : i32 to vector<512x128xi32>
    %add3A_147 = arith.addi %sub3A_1, %add3A_146 : vector<512x128xi32>
    %select_n3A_148 = arith.select %lt3A_144, %add3A_147, %sub3A_1 : vector<512x128xi1>, vector<512x128xi32>
    %reshape3A_149 = vector.shape_cast %select_n3A_148 : vector<512x128xi32> to vector<512x128x1xi32>
    %gather3A_150 = vector.shape_cast %reshape3A_149 : vector<512x128x1xi32> to vector<512x128xi32>
    %gather3A_151 = tpu.dynamic_gather %get3A_141[%gather3A_150] in [1] : vector<512x128xf32>, vector<512x128xi32> -> vector<512x128xf32>
    %swap3A_152 = arith.constant 0 : index
    %swap3A_153 = arith.constant 1152 : index
    %swap3A_154 = vector.load %arg3[%swap3A_152, %swap3A_153] : memref<512x4096xf32, #tpu.memory_space<vmem>>, vector<512x128xf32>
    tpu.vector_store %arg3[%swap3A_152, %swap3A_153], %gather3A_151 {strides = array<i32>} : memref<512x4096xf32, #tpu.memory_space<vmem>>, vector<512x128xf32>,
    %get3A_155 = arith.constant 0 : index
    %get3A_156 = arith.constant 2688 : index
    %get3A_157 = vector.load %arg1[%get3A_155, %get3A_156] : memref<512x4096xf32, #tpu.memory_space<vmem>>, vector<512x128xf32>
    %lt3A_158 = arith.constant 0 : i32
    %lt3A_159 = vector.broadcast %lt3A_158 : i32 to vector<512x128xi32>
    %lt3A_160 = arith.cmpi slt, %sub3A_1, %lt3A_159 : vector<512x128xi32>
    %add3A_161 = arith.constant 128 : i32
    %add3A_162 = vector.broadcast %add3A_161 : i32 to vector<512x128xi32>
    %add3A_163 = arith.addi %sub3A_1, %add3A_162 : vector<512x128xi32>
    %select_n3A_164 = arith.select %lt3A_160, %add3A_163, %sub3A_1 : vector<512x128xi1>, vector<512x128xi32>
    %reshape3A_165 = vector.shape_cast %select_n3A_164 : vector<512x128xi32> to vector<512x128x1xi32>
    %gather3A_166 = vector.shape_cast %reshape3A_165 : vector<512x128x1xi32> to vector<512x128xi32>
    %gather3A_167 = tpu.dynamic_gather %get3A_157[%gather3A_166] in [1] : vector<512x128xf32>, vector<512x128xi32> -> vector<512x128xf32>
    %swap3A_168 = arith.constant 0 : index
    %swap3A_169 = arith.constant 1280 : index
    %swap3A_170 = vector.load %arg3[%swap3A_168, %swap3A_169] : memref<512x4096xf32, #tpu.memory_space<vmem>>, vector<512x128xf32>
    tpu.vector_store %arg3[%swap3A_168, %swap3A_169], %gather3A_167 {strides = array<i32>} : memref<512x4096xf32, #tpu.memory_space<vmem>>, vector<512x128xf32>,
    %get3A_171 = arith.constant 0 : index
    %get3A_172 = arith.constant 2560 : index
    %get3A_173 = vector.load %arg1[%get3A_171, %get3A_172] : memref<512x4096xf32, #tpu.memory_space<vmem>>, vector<512x128xf32>
    %lt3A_174 = arith.constant 0 : i32
    %lt3A_175 = vector.broadcast %lt3A_174 : i32 to vector<512x128xi32>
    %lt3A_176 = arith.cmpi slt, %sub3A_1, %lt3A_175 : vector<512x128xi32>
    %add3A_177 = arith.constant 128 : i32
    %add3A_178 = vector.broadcast %add3A_177 : i32 to vector<512x128xi32>
    %add3A_179 = arith.addi %sub3A_1, %add3A_178 : vector<512x128xi32>
    %select_n3A_180 = arith.select %lt3A_176, %add3A_179, %sub3A_1 : vector<512x128xi1>, vector<512x128xi32>
    %reshape3A_181 = vector.shape_cast %select_n3A_180 : vector<512x128xi32> to vector<512x128x1xi32>
    %gather3A_182 = vector.shape_cast %reshape3A_181 : vector<512x128x1xi32> to vector<512x128xi32>
    %gather3A_183 = tpu.dynamic_gather %get3A_173[%gather3A_182] in [1] : vector<512x128xf32>, vector<512x128xi32> -> vector<512x128xf32>
    %swap3A_184 = arith.constant 0 : index
    %swap3A_185 = arith.constant 1408 : index
    %swap3A_186 = vector.load %arg3[%swap3A_184, %swap3A_185] : memref<512x4096xf32, #tpu.memory_space<vmem>>, vector<512x128xf32>
    tpu.vector_store %arg3[%swap3A_184, %swap3A_185], %gather3A_183 {strides = array<i32>} : memref<512x4096xf32, #tpu.memory_space<vmem>>, vector<512x128xf32>,
    %get3A_187 = arith.constant 0 : index
    %get3A_188 = arith.constant 2432 : index
    %get3A_189 = vector.load %arg1[%get3A_187, %get3A_188] : memref<512x4096xf32, #tpu.memory_space<vmem>>, vector<512x128xf32>
    %lt3A_190 = arith.constant 0 : i32
    %lt3A_191 = vector.broadcast %lt3A_190 : i32 to vector<512x128xi32>
    %lt3A_192 = arith.cmpi slt, %sub3A_1, %lt3A_191 : vector<512x128xi32>
    %add3A_193 = arith.constant 128 : i32
    %add3A_194 = vector.broadcast %add3A_193 : i32 to vector<512x128xi32>
    %add3A_195 = arith.addi %sub3A_1, %add3A_194 : vector<512x128xi32>
    %select_n3A_196 = arith.select %lt3A_192, %add3A_195, %sub3A_1 : vector<512x128xi1>, vector<512x128xi32>
    %reshape3A_197 = vector.shape_cast %select_n3A_196 : vector<512x128xi32> to vector<512x128x1xi32>
    %gather3A_198 = vector.shape_cast %reshape3A_197 : vector<512x128x1xi32> to vector<512x128xi32>
    %gather3A_199 = tpu.dynamic_gather %get3A_189[%gather3A_198] in [1] : vector<512x128xf32>, vector<512x128xi32> -> vector<512x128xf32>
    %swap3A_200 = arith.constant 0 : index
    %swap3A_201 = arith.constant 1536 : index
    %swap3A_202 = vector.load %arg3[%swap3A_200, %swap3A_201] : memref<512x4096xf32, #tpu.memory_space<vmem>>, vector<512x128xf32>
    tpu.vector_store %arg3[%swap3A_200, %swap3A_201], %gather3A_199 {strides = array<i32>} : memref<512x4096xf32, #tpu.memory_space<vmem>>, vector<512x128xf32>,
    %get3A_203 = arith.constant 0 : index
    %get3A_204 = arith.constant 2304 : index
    %get3A_205 = vector.load %arg1[%get3A_203, %get3A_204] : memref<512x4096xf32, #tpu.memory_space<vmem>>, vector<512x128xf32>
    %lt3A_206 = arith.constant 0 : i32
    %lt3A_207 = vector.broadcast %lt3A_206 : i32 to vector<512x128xi32>
    %lt3A_208 = arith.cmpi slt, %sub3A_1, %lt3A_207 : vector<512x128xi32>
    %add3A_209 = arith.constant 128 : i32
    %add3A_210 = vector.broadcast %add3A_209 : i32 to vector<512x128xi32>
    %add3A_211 = arith.addi %sub3A_1, %add3A_210 : vector<512x128xi32>
    %select_n3A_212 = arith.select %lt3A_208, %add3A_211, %sub3A_1 : vector<512x128xi1>, vector<512x128xi32>
    %reshape3A_213 = vector.shape_cast %select_n3A_212 : vector<512x128xi32> to vector<512x128x1xi32>
    %gather3A_214 = vector.shape_cast %reshape3A_213 : vector<512x128x1xi32> to vector<512x128xi32>
    %gather3A_215 = tpu.dynamic_gather %get3A_205[%gather3A_214] in [1] : vector<512x128xf32>, vector<512x128xi32> -> vector<512x128xf32>
    %swap3A_216 = arith.constant 0 : index
    %swap3A_217 = arith.constant 1664 : index
    %swap3A_218 = vector.load %arg3[%swap3A_216, %swap3A_217] : memref<512x4096xf32, #tpu.memory_space<vmem>>, vector<512x128xf32>
    tpu.vector_store %arg3[%swap3A_216, %swap3A_217], %gather3A_215 {strides = array<i32>} : memref<512x4096xf32, #tpu.memory_space<vmem>>, vector<512x128xf32>,
    %get3A_219 = arith.constant 0 : index
    %get3A_220 = arith.constant 2176 : index
    %get3A_221 = vector.load %arg1[%get3A_219, %get3A_220] : memref<512x4096xf32, #tpu.memory_space<vmem>>, vector<512x128xf32>
    %lt3A_222 = arith.constant 0 : i32
    %lt3A_223 = vector.broadcast %lt3A_222 : i32 to vector<512x128xi32>
    %lt3A_224 = arith.cmpi slt, %sub3A_1, %lt3A_223 : vector<512x128xi32>
    %add3A_225 = arith.constant 128 : i32
    %add3A_226 = vector.broadcast %add3A_225 : i32 to vector<512x128xi32>
    %add3A_227 = arith.addi %sub3A_1, %add3A_226 : vector<512x128xi32>
    %select_n3A_228 = arith.select %lt3A_224, %add3A_227, %sub3A_1 : vector<512x128xi1>, vector<512x128xi32>
    %reshape3A_229 = vector.shape_cast %select_n3A_228 : vector<512x128xi32> to vector<512x128x1xi32>
    %gather3A_230 = vector.shape_cast %reshape3A_229 : vector<512x128x1xi32> to vector<512x128xi32>
    %gather3A_231 = tpu.dynamic_gather %get3A_221[%gather3A_230] in [1] : vector<512x128xf32>, vector<512x128xi32> -> vector<512x128xf32>
    %swap3A_232 = arith.constant 0 : index
    %swap3A_233 = arith.constant 1792 : index
    %swap3A_234 = vector.load %arg3[%swap3A_232, %swap3A_233] : memref<512x4096xf32, #tpu.memory_space<vmem>>, vector<512x128xf32>
    tpu.vector_store %arg3[%swap3A_232, %swap3A_233], %gather3A_231 {strides = array<i32>} : memref<512x4096xf32, #tpu.memory_space<vmem>>, vector<512x128xf32>,
    %get3A_235 = arith.constant 0 : index
    %get3A_236 = arith.constant 2048 : index
    %get3A_237 = vector.load %arg1[%get3A_235, %get3A_236] : memref<512x4096xf32, #tpu.memory_space<vmem>>, vector<512x128xf32>
    %lt3A_238 = arith.constant 0 : i32
    %lt3A_239 = vector.broadcast %lt3A_238 : i32 to vector<512x128xi32>
    %lt3A_240 = arith.cmpi slt, %sub3A_1, %lt3A_239 : vector<512x128xi32>
    %add3A_241 = arith.constant 128 : i32
    %add3A_242 = vector.broadcast %add3A_241 : i32 to vector<512x128xi32>
    %add3A_243 = arith.addi %sub3A_1, %add3A_242 : vector<512x128xi32>
    %select_n3A_244 = arith.select %lt3A_240, %add3A_243, %sub3A_1 : vector<512x128xi1>, vector<512x128xi32>
    %reshape3A_245 = vector.shape_cast %select_n3A_244 : vector<512x128xi32> to vector<512x128x1xi32>
    %gather3A_246 = vector.shape_cast %reshape3A_245 : vector<512x128x1xi32> to vector<512x128xi32>
    %gather3A_247 = tpu.dynamic_gather %get3A_237[%gather3A_246] in [1] : vector<512x128xf32>, vector<512x128xi32> -> vector<512x128xf32>
    %swap3A_248 = arith.constant 0 : index
    %swap3A_249 = arith.constant 1920 : index
    %swap3A_250 = vector.load %arg3[%swap3A_248, %swap3A_249] : memref<512x4096xf32, #tpu.memory_space<vmem>>, vector<512x128xf32>
    tpu.vector_store %arg3[%swap3A_248, %swap3A_249], %gather3A_247 {strides = array<i32>} : memref<512x4096xf32, #tpu.memory_space<vmem>>, vector<512x128xf32>,
    %get3A_251 = arith.constant 0 : index
    %get3A_252 = arith.constant 1920 : index
    %get3A_253 = vector.load %arg1[%get3A_251, %get3A_252] : memref<512x4096xf32, #tpu.memory_space<vmem>>, vector<512x128xf32>
    %lt3A_254 = arith.constant 0 : i32
    %lt3A_255 = vector.broadcast %lt3A_254 : i32 to vector<512x128xi32>
    %lt3A_256 = arith.cmpi slt, %sub3A_1, %lt3A_255 : vector<512x128xi32>
    %add3A_257 = arith.constant 128 : i32
    %add3A_258 = vector.broadcast %add3A_257 : i32 to vector<512x128xi32>
    %add3A_259 = arith.addi %sub3A_1, %add3A_258 : vector<512x128xi32>
    %select_n3A_260 = arith.select %lt3A_256, %add3A_259, %sub3A_1 : vector<512x128xi1>, vector<512x128xi32>
    %reshape3A_261 = vector.shape_cast %select_n3A_260 : vector<512x128xi32> to vector<512x128x1xi32>
    %gather3A_262 = vector.shape_cast %reshape3A_261 : vector<512x128x1xi32> to vector<512x128xi32>
    %gather3A_263 = tpu.dynamic_gather %get3A_253[%gather3A_262] in [1] : vector<512x128xf32>, vector<512x128xi32> -> vector<512x128xf32>
    %swap3A_264 = arith.constant 0 : index
    %swap3A_265 = arith.constant 2048 : index
    %swap3A_266 = vector.load %arg3[%swap3A_264, %swap3A_265] : memref<512x4096xf32, #tpu.memory_space<vmem>>, vector<512x128xf32>
    tpu.vector_store %arg3[%swap3A_264, %swap3A_265], %gather3A_263 {strides = array<i32>} : memref<512x4096xf32, #tpu.memory_space<vmem>>, vector<512x128xf32>,
    %get3A_267 = arith.constant 0 : index
    %get3A_268 = arith.constant 1792 : index
    %get3A_269 = vector.load %arg1[%get3A_267, %get3A_268] : memref<512x4096xf32, #tpu.memory_space<vmem>>, vector<512x128xf32>
    %lt3A_270 = arith.constant 0 : i32
    %lt3A_271 = vector.broadcast %lt3A_270 : i32 to vector<512x128xi32>
    %lt3A_272 = arith.cmpi slt, %sub3A_1, %lt3A_271 : vector<512x128xi32>
    %add3A_273 = arith.constant 128 : i32
    %add3A_274 = vector.broadcast %add3A_273 : i32 to vector<512x128xi32>
    %add3A_275 = arith.addi %sub3A_1, %add3A_274 : vector<512x128xi32>
    %select_n3A_276 = arith.select %lt3A_272, %add3A_275, %sub3A_1 : vector<512x128xi1>, vector<512x128xi32>
    %reshape3A_277 = vector.shape_cast %select_n3A_276 : vector<512x128xi32> to vector<512x128x1xi32>
    %gather3A_278 = vector.shape_cast %reshape3A_277 : vector<512x128x1xi32> to vector<512x128xi32>
    %gather3A_279 = tpu.dynamic_gather %get3A_269[%gather3A_278] in [1] : vector<512x128xf32>, vector<512x128xi32> -> vector<512x128xf32>
    %swap3A_280 = arith.constant 0 : index
    %swap3A_281 = arith.constant 2176 : index
    %swap3A_282 = vector.load %arg3[%swap3A_280, %swap3A_281] : memref<512x4096xf32, #tpu.memory_space<vmem>>, vector<512x128xf32>
    tpu.vector_store %arg3[%swap3A_280, %swap3A_281], %gather3A_279 {strides = array<i32>} : memref<512x4096xf32, #tpu.memory_space<vmem>>, vector<512x128xf32>,
    %get3A_283 = arith.constant 0 : index
    %get3A_284 = arith.constant 1664 : index
    %get3A_285 = vector.load %arg1[%get3A_283, %get3A_284] : memref<512x4096xf32, #tpu.memory_space<vmem>>, vector<512x128xf32>
    %lt3A_286 = arith.constant 0 : i32
    %lt3A_287 = vector.broadcast %lt3A_286 : i32 to vector<512x128xi32>
    %lt3A_288 = arith.cmpi slt, %sub3A_1, %lt3A_287 : vector<512x128xi32>
    %add3A_289 = arith.constant 128 : i32
    %add3A_290 = vector.broadcast %add3A_289 : i32 to vector<512x128xi32>
    %add3A_291 = arith.addi %sub3A_1, %add3A_290 : vector<512x128xi32>
    %select_n3A_292 = arith.select %lt3A_288, %add3A_291, %sub3A_1 : vector<512x128xi1>, vector<512x128xi32>
    %reshape3A_293 = vector.shape_cast %select_n3A_292 : vector<512x128xi32> to vector<512x128x1xi32>
    %gather3A_294 = vector.shape_cast %reshape3A_293 : vector<512x128x1xi32> to vector<512x128xi32>
    %gather3A_295 = tpu.dynamic_gather %get3A_285[%gather3A_294] in [1] : vector<512x128xf32>, vector<512x128xi32> -> vector<512x128xf32>
    %swap3A_296 = arith.constant 0 : index
    %swap3A_297 = arith.constant 2304 : index
    %swap3A_298 = vector.load %arg3[%swap3A_296, %swap3A_297] : memref<512x4096xf32, #tpu.memory_space<vmem>>, vector<512x128xf32>
    tpu.vector_store %arg3[%swap3A_296, %swap3A_297], %gather3A_295 {strides = array<i32>} : memref<512x4096xf32, #tpu.memory_space<vmem>>, vector<512x128xf32>,
    %get3A_299 = arith.constant 0 : index
    %get3A_300 = arith.constant 1536 : index
    %get3A_301 = vector.load %arg1[%get3A_299, %get3A_300] : memref<512x4096xf32, #tpu.memory_space<vmem>>, vector<512x128xf32>
    %lt3A_302 = arith.constant 0 : i32
    %lt3A_303 = vector.broadcast %lt3A_302 : i32 to vector<512x128xi32>
    %lt3A_304 = arith.cmpi slt, %sub3A_1, %lt3A_303 : vector<512x128xi32>
    %add3A_305 = arith.constant 128 : i32
    %add3A_306 = vector.broadcast %add3A_305 : i32 to vector<512x128xi32>
    %add3A_307 = arith.addi %sub3A_1, %add3A_306 : vector<512x128xi32>
    %select_n3A_308 = arith.select %lt3A_304, %add3A_307, %sub3A_1 : vector<512x128xi1>, vector<512x128xi32>
    %reshape3A_309 = vector.shape_cast %select_n3A_308 : vector<512x128xi32> to vector<512x128x1xi32>
    %gather3A_310 = vector.shape_cast %reshape3A_309 : vector<512x128x1xi32> to vector<512x128xi32>
    %gather3A_311 = tpu.dynamic_gather %get3A_301[%gather3A_310] in [1] : vector<512x128xf32>, vector<512x128xi32> -> vector<512x128xf32>
    %swap3A_312 = arith.constant 0 : index
    %swap3A_313 = arith.constant 2432 : index
    %swap3A_314 = vector.load %arg3[%swap3A_312, %swap3A_313] : memref<512x4096xf32, #tpu.memory_space<vmem>>, vector<512x128xf32>
    tpu.vector_store %arg3[%swap3A_312, %swap3A_313], %gather3A_311 {strides = array<i32>} : memref<512x4096xf32, #tpu.memory_space<vmem>>, vector<512x128xf32>,
    %get3A_315 = arith.constant 0 : index
    %get3A_316 = arith.constant 1408 : index
    %get3A_317 = vector.load %arg1[%get3A_315, %get3A_316] : memref<512x4096xf32, #tpu.memory_space<vmem>>, vector<512x128xf32>
    %lt3A_318 = arith.constant 0 : i32
    %lt3A_319 = vector.broadcast %lt3A_318 : i32 to vector<512x128xi32>
    %lt3A_320 = arith.cmpi slt, %sub3A_1, %lt3A_319 : vector<512x128xi32>
    %add3A_321 = arith.constant 128 : i32
    %add3A_322 = vector.broadcast %add3A_321 : i32 to vector<512x128xi32>
    %add3A_323 = arith.addi %sub3A_1, %add3A_322 : vector<512x128xi32>
    %select_n3A_324 = arith.select %lt3A_320, %add3A_323, %sub3A_1 : vector<512x128xi1>, vector<512x128xi32>
    %reshape3A_325 = vector.shape_cast %select_n3A_324 : vector<512x128xi32> to vector<512x128x1xi32>
    %gather3A_326 = vector.shape_cast %reshape3A_325 : vector<512x128x1xi32> to vector<512x128xi32>
    %gather3A_327 = tpu.dynamic_gather %get3A_317[%gather3A_326] in [1] : vector<512x128xf32>, vector<512x128xi32> -> vector<512x128xf32>
    %swap3A_328 = arith.constant 0 : index
    %swap3A_329 = arith.constant 2560 : index
    %swap3A_330 = vector.load %arg3[%swap3A_328, %swap3A_329] : memref<512x4096xf32, #tpu.memory_space<vmem>>, vector<512x128xf32>
    tpu.vector_store %arg3[%swap3A_328, %swap3A_329], %gather3A_327 {strides = array<i32>} : memref<512x4096xf32, #tpu.memory_space<vmem>>, vector<512x128xf32>,
    %get3A_331 = arith.constant 0 : index
    %get3A_332 = arith.constant 1280 : index
    %get3A_333 = vector.load %arg1[%get3A_331, %get3A_332] : memref<512x4096xf32, #tpu.memory_space<vmem>>, vector<512x128xf32>
    %lt3A_334 = arith.constant 0 : i32
    %lt3A_335 = vector.broadcast %lt3A_334 : i32 to vector<512x128xi32>
    %lt3A_336 = arith.cmpi slt, %sub3A_1, %lt3A_335 : vector<512x128xi32>
    %add3A_337 = arith.constant 128 : i32
    %add3A_338 = vector.broadcast %add3A_337 : i32 to vector<512x128xi32>
    %add3A_339 = arith.addi %sub3A_1, %add3A_338 : vector<512x128xi32>
    %select_n3A_340 = arith.select %lt3A_336, %add3A_339, %sub3A_1 : vector<512x128xi1>, vector<512x128xi32>
    %reshape3A_341 = vector.shape_cast %select_n3A_340 : vector<512x128xi32> to vector<512x128x1xi32>
    %gather3A_342 = vector.shape_cast %reshape3A_341 : vector<512x128x1xi32> to vector<512x128xi32>
    %gather3A_343 = tpu.dynamic_gather %get3A_333[%gather3A_342] in [1] : vector<512x128xf32>, vector<512x128xi32> -> vector<512x128xf32>
    %swap3A_344 = arith.constant 0 : index
    %swap3A_345 = arith.constant 2688 : index
    %swap3A_346 = vector.load %arg3[%swap3A_344, %swap3A_345] : memref<512x4096xf32, #tpu.memory_space<vmem>>, vector<512x128xf32>
    tpu.vector_store %arg3[%swap3A_344, %swap3A_345], %gather3A_343 {strides = array<i32>} : memref<512x4096xf32, #tpu.memory_space<vmem>>, vector<512x128xf32>,
    %get3A_347 = arith.constant 0 : index
    %get3A_348 = arith.constant 1152 : index
    %get3A_349 = vector.load %arg1[%get3A_347, %get3A_348] : memref<512x4096xf32, #tpu.memory_space<vmem>>, vector<512x128xf32>
    %lt3A_350 = arith.constant 0 : i32
    %lt3A_351 = vector.broadcast %lt3A_350 : i32 to vector<512x128xi32>
    %lt3A_352 = arith.cmpi slt, %sub3A_1, %lt3A_351 : vector<512x128xi32>
    %add3A_353 = arith.constant 128 : i32
    %add3A_354 = vector.broadcast %add3A_353 : i32 to vector<512x128xi32>
    %add3A_355 = arith.addi %sub3A_1, %add3A_354 : vector<512x128xi32>
    %select_n3A_356 = arith.select %lt3A_352, %add3A_355, %sub3A_1 : vector<512x128xi1>, vector<512x128xi32>
    %reshape3A_357 = vector.shape_cast %select_n3A_356 : vector<512x128xi32> to vector<512x128x1xi32>
    %gather3A_358 = vector.shape_cast %reshape3A_357 : vector<512x128x1xi32> to vector<512x128xi32>
    %gather3A_359 = tpu.dynamic_gather %get3A_349[%gather3A_358] in [1] : vector<512x128xf32>, vector<512x128xi32> -> vector<512x128xf32>
    %swap3A_360 = arith.constant 0 : index
    %swap3A_361 = arith.constant 2816 : index
    %swap3A_362 = vector.load %arg3[%swap3A_360, %swap3A_361] : memref<512x4096xf32, #tpu.memory_space<vmem>>, vector<512x128xf32>
    tpu.vector_store %arg3[%swap3A_360, %swap3A_361], %gather3A_359 {strides = array<i32>} : memref<512x4096xf32, #tpu.memory_space<vmem>>, vector<512x128xf32>,
    %get3A_363 = arith.constant 0 : index
    %get3A_364 = arith.constant 1024 : index
    %get3A_365 = vector.load %arg1[%get3A_363, %get3A_364] : memref<512x4096xf32, #tpu.memory_space<vmem>>, vector<512x128xf32>
    %lt3A_366 = arith.constant 0 : i32
    %lt3A_367 = vector.broadcast %lt3A_366 : i32 to vector<512x128xi32>
    %lt3A_368 = arith.cmpi slt, %sub3A_1, %lt3A_367 : vector<512x128xi32>
    %add3A_369 = arith.constant 128 : i32
    %add3A_370 = vector.broadcast %add3A_369 : i32 to vector<512x128xi32>
    %add3A_371 = arith.addi %sub3A_1, %add3A_370 : vector<512x128xi32>
    %select_n3A_372 = arith.select %lt3A_368, %add3A_371, %sub3A_1 : vector<512x128xi1>, vector<512x128xi32>
    %reshape3A_373 = vector.shape_cast %select_n3A_372 : vector<512x128xi32> to vector<512x128x1xi32>
    %gather3A_374 = vector.shape_cast %reshape3A_373 : vector<512x128x1xi32> to vector<512x128xi32>
    %gather3A_375 = tpu.dynamic_gather %get3A_365[%gather3A_374] in [1] : vector<512x128xf32>, vector<512x128xi32> -> vector<512x128xf32>
    %swap3A_376 = arith.constant 0 : index
    %swap3A_377 = arith.constant 2944 : index
    %swap3A_378 = vector.load %arg3[%swap3A_376, %swap3A_377] : memref<512x4096xf32, #tpu.memory_space<vmem>>, vector<512x128xf32>
    tpu.vector_store %arg3[%swap3A_376, %swap3A_377], %gather3A_375 {strides = array<i32>} : memref<512x4096xf32, #tpu.memory_space<vmem>>, vector<512x128xf32>,
    %get3A_379 = arith.constant 0 : index
    %get3A_380 = arith.constant 896 : index
    %get3A_381 = vector.load %arg1[%get3A_379, %get3A_380] : memref<512x4096xf32, #tpu.memory_space<vmem>>, vector<512x128xf32>
    %lt3A_382 = arith.constant 0 : i32
    %lt3A_383 = vector.broadcast %lt3A_382 : i32 to vector<512x128xi32>
    %lt3A_384 = arith.cmpi slt, %sub3A_1, %lt3A_383 : vector<512x128xi32>
    %add3A_385 = arith.constant 128 : i32
    %add3A_386 = vector.broadcast %add3A_385 : i32 to vector<512x128xi32>
    %add3A_387 = arith.addi %sub3A_1, %add3A_386 : vector<512x128xi32>
    %select_n3A_388 = arith.select %lt3A_384, %add3A_387, %sub3A_1 : vector<512x128xi1>, vector<512x128xi32>
    %reshape3A_389 = vector.shape_cast %select_n3A_388 : vector<512x128xi32> to vector<512x128x1xi32>
    %gather3A_390 = vector.shape_cast %reshape3A_389 : vector<512x128x1xi32> to vector<512x128xi32>
    %gather3A_391 = tpu.dynamic_gather %get3A_381[%gather3A_390] in [1] : vector<512x128xf32>, vector<512x128xi32> -> vector<512x128xf32>
    %swap3A_392 = arith.constant 0 : index
    %swap3A_393 = arith.constant 3072 : index
    %swap3A_394 = vector.load %arg3[%swap3A_392, %swap3A_393] : memref<512x4096xf32, #tpu.memory_space<vmem>>, vector<512x128xf32>
    tpu.vector_store %arg3[%swap3A_392, %swap3A_393], %gather3A_391 {strides = array<i32>} : memref<512x4096xf32, #tpu.memory_space<vmem>>, vector<512x128xf32>,
    %get3A_395 = arith.constant 0 : index
    %get3A_396 = arith.constant 768 : index
    %get3A_397 = vector.load %arg1[%get3A_395, %get3A_396] : memref<512x4096xf32, #tpu.memory_space<vmem>>, vector<512x128xf32>
    %lt3A_398 = arith.constant 0 : i32
    %lt3A_399 = vector.broadcast %lt3A_398 : i32 to vector<512x128xi32>
    %lt3A_400 = arith.cmpi slt, %sub3A_1, %lt3A_399 : vector<512x128xi32>
    %add3A_401 = arith.constant 128 : i32
    %add3A_402 = vector.broadcast %add3A_401 : i32 to vector<512x128xi32>
    %add3A_403 = arith.addi %sub3A_1, %add3A_402 : vector<512x128xi32>
    %select_n3A_404 = arith.select %lt3A_400, %add3A_403, %sub3A_1 : vector<512x128xi1>, vector<512x128xi32>
    %reshape3A_405 = vector.shape_cast %select_n3A_404 : vector<512x128xi32> to vector<512x128x1xi32>
    %gather3A_406 = vector.shape_cast %reshape3A_405 : vector<512x128x1xi32> to vector<512x128xi32>
    %gather3A_407 = tpu.dynamic_gather %get3A_397[%gather3A_406] in [1] : vector<512x128xf32>, vector<512x128xi32> -> vector<512x128xf32>
    %swap3A_408 = arith.constant 0 : index
    %swap3A_409 = arith.constant 3200 : index
    %swap3A_410 = vector.load %arg3[%swap3A_408, %swap3A_409] : memref<512x4096xf32, #tpu.memory_space<vmem>>, vector<512x128xf32>
    tpu.vector_store %arg3[%swap3A_408, %swap3A_409], %gather3A_407 {strides = array<i32>} : memref<512x4096xf32, #tpu.memory_space<vmem>>, vector<512x128xf32>,
    %get3A_411 = arith.constant 0 : index
    %get3A_412 = arith.constant 640 : index
    %get3A_413 = vector.load %arg1[%get3A_411, %get3A_412] : memref<512x4096xf32, #tpu.memory_space<vmem>>, vector<512x128xf32>
    %lt3A_414 = arith.constant 0 : i32
    %lt3A_415 = vector.broadcast %lt3A_414 : i32 to vector<512x128xi32>
    %lt3A_416 = arith.cmpi slt, %sub3A_1, %lt3A_415 : vector<512x128xi32>
    %add3A_417 = arith.constant 128 : i32
    %add3A_418 = vector.broadcast %add3A_417 : i32 to vector<512x128xi32>
    %add3A_419 = arith.addi %sub3A_1, %add3A_418 : vector<512x128xi32>
    %select_n3A_420 = arith.select %lt3A_416, %add3A_419, %sub3A_1 : vector<512x128xi1>, vector<512x128xi32>
    %reshape3A_421 = vector.shape_cast %select_n3A_420 : vector<512x128xi32> to vector<512x128x1xi32>
    %gather3A_422 = vector.shape_cast %reshape3A_421 : vector<512x128x1xi32> to vector<512x128xi32>
    %gather3A_423 = tpu.dynamic_gather %get3A_413[%gather3A_422] in [1] : vector<512x128xf32>, vector<512x128xi32> -> vector<512x128xf32>
    %swap3A_424 = arith.constant 0 : index
    %swap3A_425 = arith.constant 3328 : index
    %swap3A_426 = vector.load %arg3[%swap3A_424, %swap3A_425] : memref<512x4096xf32, #tpu.memory_space<vmem>>, vector<512x128xf32>
    tpu.vector_store %arg3[%swap3A_424, %swap3A_425], %gather3A_423 {strides = array<i32>} : memref<512x4096xf32, #tpu.memory_space<vmem>>, vector<512x128xf32>,
    %get3A_427 = arith.constant 0 : index
    %get3A_428 = arith.constant 512 : index
    %get3A_429 = vector.load %arg1[%get3A_427, %get3A_428] : memref<512x4096xf32, #tpu.memory_space<vmem>>, vector<512x128xf32>
    %lt3A_430 = arith.constant 0 : i32
    %lt3A_431 = vector.broadcast %lt3A_430 : i32 to vector<512x128xi32>
    %lt3A_432 = arith.cmpi slt, %sub3A_1, %lt3A_431 : vector<512x128xi32>
    %add3A_433 = arith.constant 128 : i32
    %add3A_434 = vector.broadcast %add3A_433 : i32 to vector<512x128xi32>
    %add3A_435 = arith.addi %sub3A_1, %add3A_434 : vector<512x128xi32>
    %select_n3A_436 = arith.select %lt3A_432, %add3A_435, %sub3A_1 : vector<512x128xi1>, vector<512x128xi32>
    %reshape3A_437 = vector.shape_cast %select_n3A_436 : vector<512x128xi32> to vector<512x128x1xi32>
    %gather3A_438 = vector.shape_cast %reshape3A_437 : vector<512x128x1xi32> to vector<512x128xi32>
    %gather3A_439 = tpu.dynamic_gather %get3A_429[%gather3A_438] in [1] : vector<512x128xf32>, vector<512x128xi32> -> vector<512x128xf32>
    %swap3A_440 = arith.constant 0 : index
    %swap3A_441 = arith.constant 3456 : index
    %swap3A_442 = vector.load %arg3[%swap3A_440, %swap3A_441] : memref<512x4096xf32, #tpu.memory_space<vmem>>, vector<512x128xf32>
    tpu.vector_store %arg3[%swap3A_440, %swap3A_441], %gather3A_439 {strides = array<i32>} : memref<512x4096xf32, #tpu.memory_space<vmem>>, vector<512x128xf32>,
    %get3A_443 = arith.constant 0 : index
    %get3A_444 = arith.constant 384 : index
    %get3A_445 = vector.load %arg1[%get3A_443, %get3A_444] : memref<512x4096xf32, #tpu.memory_space<vmem>>, vector<512x128xf32>
    %lt3A_446 = arith.constant 0 : i32
    %lt3A_447 = vector.broadcast %lt3A_446 : i32 to vector<512x128xi32>
    %lt3A_448 = arith.cmpi slt, %sub3A_1, %lt3A_447 : vector<512x128xi32>
    %add3A_449 = arith.constant 128 : i32
    %add3A_450 = vector.broadcast %add3A_449 : i32 to vector<512x128xi32>
    %add3A_451 = arith.addi %sub3A_1, %add3A_450 : vector<512x128xi32>
    %select_n3A_452 = arith.select %lt3A_448, %add3A_451, %sub3A_1 : vector<512x128xi1>, vector<512x128xi32>
    %reshape3A_453 = vector.shape_cast %select_n3A_452 : vector<512x128xi32> to vector<512x128x1xi32>
    %gather3A_454 = vector.shape_cast %reshape3A_453 : vector<512x128x1xi32> to vector<512x128xi32>
    %gather3A_455 = tpu.dynamic_gather %get3A_445[%gather3A_454] in [1] : vector<512x128xf32>, vector<512x128xi32> -> vector<512x128xf32>
    %swap3A_456 = arith.constant 0 : index
    %swap3A_457 = arith.constant 3584 : index
    %swap3A_458 = vector.load %arg3[%swap3A_456, %swap3A_457] : memref<512x4096xf32, #tpu.memory_space<vmem>>, vector<512x128xf32>
    tpu.vector_store %arg3[%swap3A_456, %swap3A_457], %gather3A_455 {strides = array<i32>} : memref<512x4096xf32, #tpu.memory_space<vmem>>, vector<512x128xf32>,
    %get3A_459 = arith.constant 0 : index
    %get3A_460 = arith.constant 256 : index
    %get3A_461 = vector.load %arg1[%get3A_459, %get3A_460] : memref<512x4096xf32, #tpu.memory_space<vmem>>, vector<512x128xf32>
    %lt3A_462 = arith.constant 0 : i32
    %lt3A_463 = vector.broadcast %lt3A_462 : i32 to vector<512x128xi32>
    %lt3A_464 = arith.cmpi slt, %sub3A_1, %lt3A_463 : vector<512x128xi32>
    %add3A_465 = arith.constant 128 : i32
    %add3A_466 = vector.broadcast %add3A_465 : i32 to vector<512x128xi32>
    %add3A_467 = arith.addi %sub3A_1, %add3A_466 : vector<512x128xi32>
    %select_n3A_468 = arith.select %lt3A_464, %add3A_467, %sub3A_1 : vector<512x128xi1>, vector<512x128xi32>
    %reshape3A_469 = vector.shape_cast %select_n3A_468 : vector<512x128xi32> to vector<512x128x1xi32>
    %gather3A_470 = vector.shape_cast %reshape3A_469 : vector<512x128x1xi32> to vector<512x128xi32>
    %gather3A_471 = tpu.dynamic_gather %get3A_461[%gather3A_470] in [1] : vector<512x128xf32>, vector<512x128xi32> -> vector<512x128xf32>
    %swap3A_472 = arith.constant 0 : index
    %swap3A_473 = arith.constant 3712 : index
    %swap3A_474 = vector.load %arg3[%swap3A_472, %swap3A_473] : memref<512x4096xf32, #tpu.memory_space<vmem>>, vector<512x128xf32>
    tpu.vector_store %arg3[%swap3A_472, %swap3A_473], %gather3A_471 {strides = array<i32>} : memref<512x4096xf32, #tpu.memory_space<vmem>>, vector<512x128xf32>,
    %get3A_475 = arith.constant 0 : index
    %get3A_476 = arith.constant 128 : index
    %get3A_477 = vector.load %arg1[%get3A_475, %get3A_476] : memref<512x4096xf32, #tpu.memory_space<vmem>>, vector<512x128xf32>
    %lt3A_478 = arith.constant 0 : i32
    %lt3A_479 = vector.broadcast %lt3A_478 : i32 to vector<512x128xi32>
    %lt3A_480 = arith.cmpi slt, %sub3A_1, %lt3A_479 : vector<512x128xi32>
    %add3A_481 = arith.constant 128 : i32
    %add3A_482 = vector.broadcast %add3A_481 : i32 to vector<512x128xi32>
    %add3A_483 = arith.addi %sub3A_1, %add3A_482 : vector<512x128xi32>
    %select_n3A_484 = arith.select %lt3A_480, %add3A_483, %sub3A_1 : vector<512x128xi1>, vector<512x128xi32>
    %reshape3A_485 = vector.shape_cast %select_n3A_484 : vector<512x128xi32> to vector<512x128x1xi32>
    %gather3A_486 = vector.shape_cast %reshape3A_485 : vector<512x128x1xi32> to vector<512x128xi32>
    %gather3A_487 = tpu.dynamic_gather %get3A_477[%gather3A_486] in [1] : vector<512x128xf32>, vector<512x128xi32> -> vector<512x128xf32>
    %swap3A_488 = arith.constant 0 : index
    %swap3A_489 = arith.constant 3840 : index
    %swap3A_490 = vector.load %arg3[%swap3A_488, %swap3A_489] : memref<512x4096xf32, #tpu.memory_space<vmem>>, vector<512x128xf32>
    tpu.vector_store %arg3[%swap3A_488, %swap3A_489], %gather3A_487 {strides = array<i32>} : memref<512x4096xf32, #tpu.memory_space<vmem>>, vector<512x128xf32>,
    %get3A_491 = arith.constant 0 : index
    %get3A_492 = arith.constant 0 : index
    %get3A_493 = vector.load %arg1[%get3A_491, %get3A_492] : memref<512x4096xf32, #tpu.memory_space<vmem>>, vector<512x128xf32>
    %lt3A_494 = arith.constant 0 : i32
    %lt3A_495 = vector.broadcast %lt3A_494 : i32 to vector<512x128xi32>
    %lt3A_496 = arith.cmpi slt, %sub3A_1, %lt3A_495 : vector<512x128xi32>
    %add3A_497 = arith.constant 128 : i32
    %add3A_498 = vector.broadcast %add3A_497 : i32 to vector<512x128xi32>
    %add3A_499 = arith.addi %sub3A_1, %add3A_498 : vector<512x128xi32>
    %select_n3A_500 = arith.select %lt3A_496, %add3A_499, %sub3A_1 : vector<512x128xi1>, vector<512x128xi32>
    %reshape3A_501 = vector.shape_cast %select_n3A_500 : vector<512x128xi32> to vector<512x128x1xi32>
    %gather3A_502 = vector.shape_cast %reshape3A_501 : vector<512x128x1xi32> to vector<512x128xi32>
    %gather3A_503 = tpu.dynamic_gather %get3A_493[%gather3A_502] in [1] : vector<512x128xf32>, vector<512x128xi32> -> vector<512x128xf32>
    %swap3A_504 = arith.constant 0 : index
    %swap3A_505 = arith.constant 3968 : index
    %swap3A_506 = vector.load %arg3[%swap3A_504, %swap3A_505] : memref<512x4096xf32, #tpu.memory_space<vmem>>, vector<512x128xf32>
    tpu.vector_store %arg3[%swap3A_504, %swap3A_505], %gather3A_503 {strides = array<i32>} : memref<512x4096xf32, #tpu.memory_space<vmem>>, vector<512x128xf32>,
    return
  }
  func.func @transform_0(%arg0: i32) -> (i32, i32) {
    %add3A = arith.constant 2 : i32
    %add3A_0 = arith.addi %arg0, %add3A : i32
    %c0_i32 = arith.constant 0 : i32
    %c0_i32_1 = arith.constant 0 : i32
    return %add3A_0, %c0_i32 : i32, i32
  }
  func.func @transform_2(%arg0: i32) -> (i32, i32) {
    %add3A = arith.constant 2 : i32
    %add3A_0 = arith.addi %arg0, %add3A : i32
    %c0_i32 = arith.constant 0 : i32
    %c0_i32_1 = arith.constant 0 : i32
    return %add3A_0, %c0_i32 : i32, i32
  }
}

</mosaic_0001>

<sc_bundles>
// kernel: kernel.4.cloned.1.call-start
scs
__scs_entry_jumppad:
0x0: {  	(pc) =	sbr.rel $0x88, $3  }
0x1: {  	(tag) =	ssettag $0x0;
	lr =	simm.s32 $0x1  }
0x2: {  	[smem:$0x3FA0] =	sst lr;
	_ =	strace $0xD0000000  }
0x3: {  	_ = 	snop  }
0x4: {  	_ = 	snop  }
0x5: {  	_ = 	snop  }
0x6: {  	_ = 	snop  }
0x7: {  	_ = 	snop  }
__scs_overlays_trampoline_lowered:
0x8: {  	[smem:$0x3FAF] =	sst s0  }
0x9: {  	[smem:$0x3FB0] =	sst s1  }
0xa: {  	[smem:$0x3FB1] =	sst s2  }
0xb: {  	[smem:$0x3FB2] =	sst s3  }
0xc: {  	[smem:$0x3FB3] =	sst s4  }
0xd: {  	[smem:$0x3FB4] =	sst s5  }
0xe: {  	[smem:$0x3FB5] =	sst s6  }
0xf: {  	[smem:$0x3FB6] =	sst s7  }
0x10: {  	[smem:$0x3FB7] =	sst s8  }
0x11: {  	[smem:$0x3FB8] =	sst s9;
	s0 =	simm.s32 @!p0 $0x0  }
0x12: {  	s1 =	sld [smem:$0x3F9E];
	s0 =	simm.s32 @p0 $0x1  }
0x13: {  	[smem:$0x3FB9] =	sst s0;
	s0 =	simm.s32 @!p1 $0x0  }
0x14: {  	s2 =	sld [smem:$0x3F9D];
	s0 =	simm.s32 @p1 $0x1  }
0x15: {  	[smem:$0x3FBA] =	sst s0;
	s0 =	simm.s32 @!p2 $0x0  }
0x16: {  	s3 =	sld [smem:$0x3FDB];
	s0 =	simm.s32 @p2 $0x1  }
0x17: {  	s4 =	simm.s32 $0x1BF5;
	[smem:$0x3FBC] =	sst s0  }
0x18: {  	s0 =	sld [smem:$0x3F9F];
	_ =	swait.ge [sflag:s4], $0x0  }
0x19: {  	s7 =	sld [smem:$0x3FA0]  }
0x1a: {  	s8 =	sadd.s32 $0xFFFFE003, lr  }
0x1b: {  	s9 =	sadd.s32 $0xFFFFFEF7, lr;
	s5 =	simm.s32 $0xFFFFFFFF;
	p2 =	slt.u32 s8, $0xFFFFF086  }
0x1c: {  	p1 =	slt.u32 s9, $0xF7A;
	s5 =	simm.s32 @!p2 $0x0  }
0x1d: {  	s5 =	simm.s32 @p1 $0x1;
	p0 =	seq.s32 s7, s2  }
0x1e: {  	s7 =	smul.u32 @!p0 $0xF7A, s2;
	p2 =	seq.s32 @!p0 s5, $0x0  }
0x1f: {  	s9 =	smul.u32 $0xF7A, s1;
	s8 =	simm.s32 @!p0 $0x1BF5;
	p2 =	por !p2, p0  }
0x20: {  	[sflag:s8] =	ssyncset.s32 @!p0 $0xFFFFF086;
	s6 =	sadd.s32 @!p0 s3, s7;
	s7 =	simm.s32 @!p0 $0x108  }
0x21: {  	s3 =	sadd.s32 s3, s9;
	s6 =	sadd.s32 @!p0 $0x88, s6;
	s7 =	simm.s32 @p2 $0x1082  }
0x22: {  	[simem:s7], [sflag:s8] =	dma.local @!p0 [hbm:s6], $0xF7A  }
0x23: {  	s9 =	sor.u32 $0xD0000000, s2;
	s6 =	simm.s32 $0x108;
	_ =	swait.ge @!p0 [sflag:s8], $0x0  }
0x24: {  	s3 =	sadd.s32 $0x88, s3;
	s6 =	simm.s32 @!p1 $0x1082;
	[sflag:s4] =	ssyncset.s32 $0xFFFFF086  }
0x25: {  	[simem:s6], [sflag:s4] =	dma.local [hbm:s3], $0xF7A  }
0x26: {  	[smem:$0x3FA0] =	sst s1;
	(tag) =	ssettag s2;
	_ =	strace s9  }
0x27: {  	s1 =	sld [smem:$0x3FB0]  }
0x28: {  	s2 =	sld [smem:$0x3FB1]  }
0x29: {  	s4 =	sld [smem:$0x3FB3]  }
0x2a: {  	p0 =	seq.s32 s5, $0x0;
	s5 =	sld [smem:$0x3FB4]  }
0x2b: {  	s6 =	sld [smem:$0x3FB5]  }
0x2c: {  	s7 =	sld [smem:$0x3FB6]  }
0x2d: {  	s3 =	simm.s32 $0x108;
	s8 =	sld [smem:$0x3FB7]  }
0x2e: {  	s3 =	simm.s32 @!p0 $0x1082;
	s9 =	sld [smem:$0x3FB8]  }
0x2f: {  	lr =	sadd.s32 s0, s3;
	s0 =	sld [smem:$0x3FAF]  }
0x30: {  	s3 =	sld [smem:$0x3FB2]  }
0x31: {  	[smem:$0x3FBB] =	sst s10  }
0x32: {  	s10 =	sld [smem:$0x3FB9];
	_ =	sdelay $0x3  }
0x33: {  	p0 =	seq.s32 s10, $0x1;
	s10 =	sld [smem:$0x3FBB];
	_ =	sdelay $0x3  }
0x34: {  	[smem:$0x3FBB] =	sst s10  }
0x35: {  	s10 =	sld [smem:$0x3FBA];
	_ =	sdelay $0x3  }
0x36: {  	p1 =	seq.s32 s10, $0x1;
	s10 =	sld [smem:$0x3FBB];
	_ =	sdelay $0x3  }
0x37: {  	[smem:$0x3FBB] =	sst s10  }
0x38: {  	s10 =	sld [smem:$0x3FBC]  }
0x39: {  	_ = 	snop;
	(pc) =	sbr.ind lr, $3  }
0x3a: {  	_ = 	snop  }
0x3b: {  	_ = 	snop  }
0x3c: {  	p2 =	seq.s32 s10, $0x1;
	s10 =	sld [smem:$0x3FBB]  }
0x3d: {  	_ =	shalt  }
0x3e: {  	_ =	shalt  }
0x3f: {  	_ =	shalt  }
0x40: {  	_ =	shalt  }
0x41: {  	_ =	shalt  }
0x42: {  	_ =	shalt  }
0x43: {  	_ =	shalt  }
0x44: {  	_ =	shalt  }
0x45: {  	_ =	shalt  }
0x46: {  	_ =	shalt  }
0x47: {  	_ =	shalt  }
0x48: {  	_ =	shalt  }
0x49: {  	_ =	shalt  }
0x4a: {  	_ =	shalt  }
0x4b: {  	_ =	shalt  }
0x4c: {  	_ =	shalt  }
0x4d: {  	_ =	shalt  }
0x4e: {  	_ =	shalt  }
0x4f: {  	_ =	shalt  }
0x50: {  	_ =	shalt  }
0x51: {  	_ =	shalt  }
0x52: {  	_ =	shalt  }
0x53: {  	_ =	shalt  }
0x54: {  	_ =	shalt  }
0x55: {  	_ =	shalt  }
0x56: {  	_ =	shalt  }
0x57: {  	_ =	shalt  }
0x58: {  	_ =	shalt  }
0x59: {  	_ =	shalt  }
0x5a: {  	_ =	shalt  }
0x5b: {  	_ =	shalt  }
0x5c: {  	_ =	shalt  }
0x5d: {  	_ =	shalt  }
0x5e: {  	_ =	shalt  }
0x5f: {  	_ =	shalt  }
0x60: {  	_ =	shalt  }
0x61: {  	_ =	shalt  }
0x62: {  	_ =	shalt  }
0x63: {  	_ =	shalt  }
0x64: {  	_ =	shalt  }
0x65: {  	_ =	shalt  }
0x66: {  	_ =	shalt  }
0x67: {  	_ =	shalt  }
0x68: {  	_ =	shalt  }
0x69: {  	_ =	shalt  }
0x6a: {  	_ =	shalt  }
0x6b: {  	_ =	shalt  }
0x6c: {  	_ =	shalt  }
0x6d: {  	_ =	shalt  }
0x6e: {  	_ =	shalt  }
0x6f: {  	_ =	shalt  }
0x70: {  	_ =	shalt  }
0x71: {  	_ =	shalt  }
0x72: {  	_ =	shalt  }
0x73: {  	_ =	shalt  }
0x74: {  	_ =	shalt  }
0x75: {  	_ =	shalt  }
0x76: {  	_ =	shalt  }
0x77: {  	_ =	shalt  }
0x78: {  	_ =	shalt  }
0x79: {  	_ =	shalt  }
0x7a: {  	_ =	shalt  }
0x7b: {  	_ =	shalt  }
0x7c: {  	_ =	shalt  }
0x7d: {  	_ =	shalt  }
0x7e: {  	_ =	shalt  }
0x7f: {  	_ =	shalt  }
0x80: {  	_ =	shalt  }
0x81: {  	_ =	shalt  }
0x82: {  	_ =	shalt  }
0x83: {  	_ =	shalt  }
0x84: {  	_ =	shalt  }
0x85: {  	_ =	shalt  }
0x86: {  	_ =	shalt  }
0x87: {  	_ =	shalt  }
.Lfunc_end0:
.L_simem_size_0:
called_computation_lowered:
.L_overlay_start_0:
0x88: {  	s2 =	sld [smem:$0x3FD9]  }
0x89: {  	s3 =	sld [smem:$0x3FFE];
	_ =	sdelay $0x1  }
0x8a: {  	s1 =	srdreg.scid  }
0x8b: {  	s0 =	sand.u32 $0x1, s1  }
0x8c: {  	s15 =	sshll.u32 s0, $0xA;
	s2 =	sadd.s32 s3, s2  }
0x8d: {  	s2 =	sadd.s32 s2, s15  }
0x8e: {  	[smem:$0x3FC7] =	sst s2  }
0x8f: {  	_ = 	snop  }
0x90: {  	s2 =	sld [smem:$0x3FD0];
	_ =	sdelay $0x2  }
0x91: {  	s4 =	simm.s32 $0xA;
	s5 =	simm.s32 $0x10;
	s16 =	sld [smem:$0x3FC9]  }
0x92: {  	[smem:s5], [sflag:s4] =	dma.local [hbm:s2], $0x1  }
0x93: {  	_ =	swait.eq [sflag:s4], $0x1  }
0x94: {  	[sflag:s4] =	ssyncset.done $0x0  }
0x95: {  	[sflag:s4] =	ssyncadd.s32 $0xFFFFFFFF  }
0x96: {  	s17 =	sld [smem:$0x10];
	(tm) =	ssettm $0x1  }
0x97: {  	s18 =	sld [smem:$0x3FFB];
	_ =	sdelay $0x3  }
0x98: {  	_ =	strace s18  }
0x99: {  	s4 =	sld [smem:$0x3FFC];
	_ =	sdelay $0x3  }
0x9a: {  	_ =	strace s4  }
0x9b: {  	s4 =	sld [smem:$0x3FFD];
	_ =	sdelay $0x3  }
0x9c: {  	_ =	strace s4  }
0x9d: {  	_ =	strace $0x8FFFFFFF  }
0x9e: {  	s19 =	sld [smem:$0x3FDB];
	_ =	sdelay $0x1  }
0x9f: {  	s20 =	simm.s32 $_scs_section_size  }
0xa0: {  	s6 =	simm.s32 $_size__tile_overlayer_lowered;
	s7 =	simm.s32 $_tile_overlayer_lowered  }
0xa1: {  	s23 =	simm.s32 $0x1BFF;
	s22 =	sshll.u32 s7, $0x1;
	s4 =	sadd.s32 s20, s19  }
0xa2: {  	s8 =	simm.s32 $0x0;
	s21 =	sshll.u32 s6, $0x1;
	s6 =	sadd.s32 s22, s4  }
0xa3: {  	[timem:s8], [sflag:s23] =	dma.local [hbm:s6], s21  }
0xa4: {  	_ =	swait.ge [sflag:s23], s21  }
0xa5: {  	s5 =	ssub.s32 $0x0, s21;
	[sflag:s23] =	ssyncset.done $0x0  }
0xa6: {  	[sflag:s23] =	ssyncadd.s32 s5;
	_ =	sdelay $0x1  }
0xa7: {  	s24 =	simm.s32 $0x1B8B  }
0xa8: {  	_ =	swait.ge [sflag:s24], $0x1  }
0xa9: {  	[sflag:s24] =	ssyncset.done $0x0  }
0xaa: {  	s25 =	simm.s32 $0x1B8E;
	[sflag:s24] =	ssyncadd.s32 $0xFFFFFFFF  }
0xab: {  	s26 =	simm.s32 $execute0_lowered;
	[smem:$0x3FD2] =	sst s25  }
0xac: {  	s5 =	sshll.u32 s26, $0x1;
	_ =	strace $0x80000046;
	[dreg:$0x1] =	wrdreg $0xFFFFFFFF  }
0xad: {  	s28 =	simm.s32 $_size_execute0_lowered;
	s4 =	sadd.s32 s4, s5;
	[dreg:$0x0] =	wrdreg $0x0  }
0xae: {  	s5 =	sshll.u32 s28, $0x1;
	[dreg:$0x2] =	wrdreg s4  }
0xaf: {  	[dreg:$0x3] =	wrdreg s5  }
0xb0: {  	[dreg:$0x4] =	wrdreg $0xC0  }
0xb1: {  	_ =	task [dreg:s8], $0x5FFFF  }
0xb2: {  	[dreg:$0x1] =	wrdreg $0xFFFFFFFF  }
0xb3: {  	[dreg:$0x0] =	wrdreg $0x60  }
0xb4: {  	[dreg:$0x2] =	wrdreg s16  }
0xb5: {  	[dreg:$0x3] =	wrdreg s17  }
0xb6: {  	[dreg:$0x4] =	wrdreg $0x9  }
0xb7: {  	_ =	task.clear_ibuf [dreg:s8], $0x5FFFF;
	_ =	strace $0x90000046  }
0xb8: {  	s29 =	simm.s32 $0x9;
	_ =	strace $0x80000048  }
0xb9: {  	_ =	swait.ge [sflag:s29], $0x1  }
0xba: {  	[sflag:s29] =	ssyncadd.s32 $0xFFFFFFFF  }
0xbb: {  	_ =	strace $0x90000048  }
0xbc: {  	_ =	sfence  }
0xbd: {  	s30 =	sld [smem:$0x0];
	_ =	sdelay $0x2  }
0xbe: {  	s31 =	sshll.u32 s1, $0xD;
	s1 =	sshrl.u32 s1, $0x2  }
0xbf: {  	s3 =	sand.u32 $0x4000, s31;
	s1 =	sadd.s32 s1, s30  }
0xc0: {  	s0 =	sor.u32 s3, s0;
	s1 =	sshll.u32 s1, $0x11  }
0xc1: {  	s0 =	sor.u32 s1, s0  }
0xc2: {  	s0 =	sadd.s32 $0x8F2B, s0  }
0xc3: {  	[sflag:s0] =	ssyncadd.remote.s32 $0x1  }
0xc4: {  	_ =	sfence.sel $0xFFFF  }
0xc5: {  	[dreg:$0x0] =	wrdreg $0xFFFFFFFF;
	(pc) =	sbr.abs _section_cstart, $3  }
0xc6: {  	[dreg:$0x1] =	wrdreg $0xFFFFFFFF  }
0xc7: {  	_ =	task.clear_ibuf [dreg:s8], $0x2FFFF;
	_ =	strace $0x9FFFFFFF  }
0xc8: {  	(tm) =	ssettm $0x7FFFFFFF  }
0xc9: {  	_ =	shalt  }
tec
execute0_lowered:
.L_overlay_start_1:
0x0: {  	(tag) =	ssettag $0x1  }
0x1: {  	s1 =	srdreg.scid;
	s2 =	rddreg [dreg:$0x0]  }
0x2: {  	s0 =	stileid.u32;
	s3 =	rddreg [dreg:$0x1]  }
0x3: {  	s4 =	simm.s32 $0x0;
	s10 =	simm.s32 $0x200;
	s11 =	simm.s32 $0x400  }
0x4: {  	s12 =	simm.s32 $0x4000;
	s13 =	simm.s32 $0x1;
	s14 =	simm.s32 $0x8000  }
0x5: {  	s15 =	simm.s32 $0x2;
	s16 =	simm.s32 $0x4;
	s17 =	simm.s32 $0xC000  }
0x6: {  	s18 =	simm.s32 $0x3;
	s19 =	simm.s32 $0x0;
	s5 =	sand.u32 $0x1, s1  }
0x7: {  	s6 =	sshll.u32 s0, $0x6;
	s1 =	rddreg [dreg:$0x2];
	s7 =	sshll.u32 s5, $0x5  }
0x8: {  	v0 =	vlaneseq.u32;
	[smem:$0x7FF] =	sst s4;
	s31 =	ssub.s32 $0x2, s5;
	s6 =	sor.u32 s7, s6  }
0x9: {  	v0 =	vmul.u32 $0xFFFFFFFF, v0;
	_ =	strace $0x80000047;
	s8 =	sshrl.u32 s31, $0x1;
	s9 =	sshll.u32 s6, $0x9  }
0xa: {  	s8 =	ssub.s32 s31, s8;
	s6 =	sshrl.u32 s6, $0x3;
	s5 =	sadd.s32 s2, s9  }
0xb: {  	v0 =	vadd.s32 $0xF, v0;
	s8 =	smax.u32 s8, $0x1;
	s9 =	sor.u32 $0x40, s9;
	s7 =	sadd.s32 $0x1000, s5  }
.LBB2_1:
0xc: {  	[tilespmem:s4], [sflag:$0x1] =	stream.strided.gather [hbm4b:s5+s10], $0x4000, s11, s10, $0x38;
	[tilespmem:$0x10000] =	vst v63  }
0xd: {  	s20 =	simm.s32 $0x0  }
.LBB2_2:
0xe: {  	s22 =	sshll.u32 s20, $0xC  }
0xf: {  	s21 =	sor.u32 s9, s22  }
0x10: {  	s23 =	sadd.s32 s2, s21  }
0x11: {  	[tilespmem:s12], [sflag:$0x2] =	stream.strided.gather [hbm4b:s23+s10], $0x4000, s11, s10, $0x38;
	[tilespmem:$0x10000] =	vst v63  }
0x12: {  	_ =	swait.ge [sflag:s13], $0x4000  }
0x13: {  	p0 =	seq.s32 s20, $0x0;
	[sflag:s13] =	ssyncset.done $0x0  }
0x14: {  	s23 =	simm.s32 @!p0 $0x3;
	[sflag:s13] =	ssyncadd.s32 $0xFFFFC000  }
0x15: {  	_ =	swait.ge @!p0 [sflag:s23], $0x4000  }
0x16: {  	[sflag:s23] =	ssyncset.done @!p0 $0x0  }
0x17: {  	s25 =	simm.s32 $0x40;
	[sflag:s23] =	ssyncadd.s32 @!p0 $0xFFFFC000  }
0x18: {  	v4 =	vld [tilespmem:s25+$0x30]  }
0x19: {  	v5 =	vld [tilespmem:s25+$0xFFFFFFD0]  }
0x1a: {  	v7 =	vld [tilespmem:s25+$0xFFFFFFE0]  }
0x1b: {  	v3 =	vld [tilespmem:s25+$0xFFFFFFF0]  }
0x1c: {  	v2 =	vld [tilespmem:s25+$0x0]  }
0x1d: {  	v1 =	vld [tilespmem:s25+$0x10];
	v8 =	vperm.xlane v4, v0  }
0x1e: {  	s24 =	simm.s32 $0xBE70;
	s28 =	simm.s32 $0x0;
	s29 =	simm.s32 $0x240;
	v4 =	vld [tilespmem:s25+$0x20];
	v6 =	vperm.xlane v5, v0  }
0x1f: {  	s26 =	simm.s32 $0xF0;
	s23 =	sadd.s32 s6, s20;
	v5 =	vld [tilespmem:s25+$0xFFFFFFC0];
	v7 =	vperm.xlane v7, v0;
	s25 =	simm.s32 $0xBEF0;
	[tilespmem:s24+$0xFFFFFF90] =	vst v8  }
.LBB2_3:
0x20: {  	v8 =	vld [tilespmem:s29+$0x30];
	s28 =	sadd.s32 $0x8, s28;
	[tilespmem:s24+$0xFFFFFFF0] =	vst v6;
	v3 =	vperm.xlane v3, v0  }
0x21: {  	v6 =	vld [tilespmem:s29+$0xFFFFFFD0];
	p1 =	slt.u32 s28, $0xF8;
	[tilespmem:s24+$0xFFFFFFE0] =	vst v7;
	v2 =	vperm.xlane v2, v0  }
0x22: {  	v7 =	vld [tilespmem:s29+$0xFFFFFFE0];
	[tilespmem:s24+$0xFFFFFFD0] =	vst v3;
	v1 =	vperm.xlane v1, v0  }
.Ltmp0:
0x23: {  	v3 =	vld [tilespmem:s29+$0xFFFFFFF0];
	[tilespmem:s24+$0xFFFFFFC0] =	vst v2;
	v4 =	vperm.xlane v4, v0;
	(pc) =	sbr.rel @p1 .LBB2_3-.Ltmp0, $4  }
0x24: {  	v2 =	vld [tilespmem:s29+$0x0];
	v5 =	vperm.xlane v5, v0;
	[tilespmem:s24+$0xFFFFFFB0] =	vst v1  }
0x25: {  	v1 =	vld [tilespmem:s29+$0x10];
	v8 =	vperm.xlane v8, v0;
	[tilespmem:s24+$0xFFFFFFA0] =	vst v4  }
0x26: {  	v6 =	vperm.xlane v6, v0;
	v4 =	vld [tilespmem:s29+$0x20];
	[tilespmem:s24+$0x0] =	vst v5;
	s24 =	sadd.s32 $0xFFFFFE00, s24  }
0x27: {  	v5 =	vld [tilespmem:s29+$0xFFFFFFC0];
	v7 =	vperm.xlane v7, v0;
	[tilespmem:s24+$0xFFFFFF90] =	vst v8;
	s29 =	sadd.s32 $0x200, s29  }
0x28: {  	[tilespmem:s24+$0xFFFFFFF0] =	vst v6;
	v3 =	vperm.xlane v3, v0  }
0x29: {  	[tilespmem:s24+$0xFFFFFFE0] =	vst v7;
	v2 =	vperm.xlane v2, v0  }
0x2a: {  	[tilespmem:s24+$0xFFFFFFD0] =	vst v3;
	v1 =	vperm.xlane v1, v0  }
0x2b: {  	[tilespmem:s24+$0xFFFFFFC0] =	vst v2;
	v2 =	vperm.xlane v4, v0  }
0x2c: {  	v3 =	vperm.xlane v5, v0;
	[tilespmem:s24+$0xFFFFFFB0] =	vst v1  }
0x2d: {  	[tilespmem:s24+$0xFFFFFFA0] =	vst v2  }
0x2e: {  	[tilespmem:s24+$0x0] =	vst v3  }
0x2f: {  	v3 =	vld [tilespmem:s26+$0x0]  }
0x30: {  	v5 =	vld [tilespmem:s26+$0xFFFFFFA0]  }
0x31: {  	v7 =	vld [tilespmem:s26+$0xFFFFFFB0]  }
0x32: {  	v4 =	vld [tilespmem:s26+$0xFFFFFFC0]  }
0x33: {  	v2 =	vld [tilespmem:s26+$0xFFFFFFD0]  }
0x34: {  	v1 =	vld [tilespmem:s26+$0xFFFFFFE0];
	v8 =	vperm.xlane v3, v0  }
0x35: {  	s28 =	simm.s32 $0x0;
	v3 =	vld [tilespmem:s26+$0xFFFFFFF0];
	v6 =	vperm.xlane v5, v0  }
0x36: {  	s29 =	simm.s32 $0x2F0;
	s24 =	simm.s32 $0xBF70;
	v5 =	vld [tilespmem:s26+$0xFFFFFF90];
	v7 =	vperm.xlane v7, v0;
	s26 =	simm.s32 $0x170;
	[tilespmem:s25+$0xFFFFFF90] =	vst v8  }
.LBB2_5:
0x37: {  	v8 =	vld [tilespmem:s29+$0x0];
	s28 =	sadd.s32 $0x8, s28;
	[tilespmem:s25+$0xFFFFFFF0] =	vst v6;
	v4 =	vperm.xlane v4, v0  }
0x38: {  	v6 =	vld [tilespmem:s29+$0xFFFFFFA0];
	p1 =	slt.u32 s28, $0xF8;
	[tilespmem:s25+$0xFFFFFFE0] =	vst v7;
	v2 =	vperm.xlane v2, v0  }
0x39: {  	v7 =	vld [tilespmem:s29+$0xFFFFFFB0];
	[tilespmem:s25+$0xFFFFFFD0] =	vst v4;
	v1 =	vperm.xlane v1, v0  }
.Ltmp1:
0x3a: {  	v4 =	vld [tilespmem:s29+$0xFFFFFFC0];
	[tilespmem:s25+$0xFFFFFFC0] =	vst v2;
	v3 =	vperm.xlane v3, v0;
	(pc) =	sbr.rel @p1 .LBB2_5-.Ltmp1, $4  }
0x3b: {  	v2 =	vld [tilespmem:s29+$0xFFFFFFD0];
	v5 =	vperm.xlane v5, v0;
	[tilespmem:s25+$0xFFFFFFB0] =	vst v1  }
0x3c: {  	v1 =	vld [tilespmem:s29+$0xFFFFFFE0];
	v8 =	vperm.xlane v8, v0;
	[tilespmem:s25+$0xFFFFFFA0] =	vst v3  }
0x3d: {  	v6 =	vperm.xlane v6, v0;
	v3 =	vld [tilespmem:s29+$0xFFFFFFF0];
	[tilespmem:s25+$0x0] =	vst v5;
	s25 =	sadd.s32 $0xFFFFFE00, s25  }
0x3e: {  	v5 =	vld [tilespmem:s29+$0xFFFFFF90];
	v7 =	vperm.xlane v7, v0;
	[tilespmem:s25+$0xFFFFFF90] =	vst v8;
	s29 =	sadd.s32 $0x200, s29  }
0x3f: {  	[tilespmem:s25+$0xFFFFFFF0] =	vst v6;
	v4 =	vperm.xlane v4, v0  }
0x40: {  	[tilespmem:s25+$0xFFFFFFE0] =	vst v7;
	v2 =	vperm.xlane v2, v0  }
0x41: {  	[tilespmem:s25+$0xFFFFFFD0] =	vst v4;
	v1 =	vperm.xlane v1, v0  }
0x42: {  	[tilespmem:s25+$0xFFFFFFC0] =	vst v2;
	v2 =	vperm.xlane v3, v0  }
0x43: {  	v3 =	vperm.xlane v5, v0;
	[tilespmem:s25+$0xFFFFFFB0] =	vst v1  }
0x44: {  	[tilespmem:s25+$0xFFFFFFA0] =	vst v2  }
0x45: {  	[tilespmem:s25+$0x0] =	vst v3  }
0x46: {  	v3 =	vld [tilespmem:s26+$0x0]  }
0x47: {  	v5 =	vld [tilespmem:s26+$0xFFFFFFA0]  }
0x48: {  	v7 =	vld [tilespmem:s26+$0xFFFFFFB0]  }
0x49: {  	v4 =	vld [tilespmem:s26+$0xFFFFFFC0]  }
0x4a: {  	v2 =	vld [tilespmem:s26+$0xFFFFFFD0]  }
0x4b: {  	v1 =	vld [tilespmem:s26+$0xFFFFFFE0];
	v8 =	vperm.xlane v3, v0  }
0x4c: {  	s28 =	simm.s32 $0x0;
	v3 =	vld [tilespmem:s26+$0xFFFFFFF0];
	v6 =	vperm.xlane v5, v0  }
0x4d: {  	s29 =	simm.s32 $0x370;
	s25 =	simm.s32 $0xBFF0;
	v5 =	vld [tilespmem:s26+$0xFFFFFF90];
	v7 =	vperm.xlane v7, v0;
	s26 =	simm.s32 $0x1F0;
	[tilespmem:s24+$0xFFFFFF90] =	vst v8  }
.LBB2_7:
0x4e: {  	v8 =	vld [tilespmem:s29+$0x0];
	s28 =	sadd.s32 $0x8, s28;
	[tilespmem:s24+$0xFFFFFFF0] =	vst v6;
	v4 =	vperm.xlane v4, v0  }
0x4f: {  	v6 =	vld [tilespmem:s29+$0xFFFFFFA0];
	p1 =	slt.u32 s28, $0xF8;
	[tilespmem:s24+$0xFFFFFFE0] =	vst v7;
	v2 =	vperm.xlane v2, v0  }
0x50: {  	v7 =	vld [tilespmem:s29+$0xFFFFFFB0];
	[tilespmem:s24+$0xFFFFFFD0] =	vst v4;
	v1 =	vperm.xlane v1, v0  }
.Ltmp2:
0x51: {  	v4 =	vld [tilespmem:s29+$0xFFFFFFC0];
	[tilespmem:s24+$0xFFFFFFC0] =	vst v2;
	v3 =	vperm.xlane v3, v0;
	(pc) =	sbr.rel @p1 .LBB2_7-.Ltmp2, $4  }
0x52: {  	v2 =	vld [tilespmem:s29+$0xFFFFFFD0];
	v5 =	vperm.xlane v5, v0;
	[tilespmem:s24+$0xFFFFFFB0] =	vst v1  }
0x53: {  	v1 =	vld [tilespmem:s29+$0xFFFFFFE0];
	v8 =	vperm.xlane v8, v0;
	[tilespmem:s24+$0xFFFFFFA0] =	vst v3  }
0x54: {  	v6 =	vperm.xlane v6, v0;
	v3 =	vld [tilespmem:s29+$0xFFFFFFF0];
	[tilespmem:s24+$0x0] =	vst v5;
	s24 =	sadd.s32 $0xFFFFFE00, s24  }
0x55: {  	v5 =	vld [tilespmem:s29+$0xFFFFFF90];
	v7 =	vperm.xlane v7, v0;
	[tilespmem:s24+$0xFFFFFF90] =	vst v8;
	s29 =	sadd.s32 $0x200, s29  }
0x56: {  	[tilespmem:s24+$0xFFFFFFF0] =	vst v6;
	v4 =	vperm.xlane v4, v0  }
0x57: {  	[tilespmem:s24+$0xFFFFFFE0] =	vst v7;
	v2 =	vperm.xlane v2, v0  }
0x58: {  	[tilespmem:s24+$0xFFFFFFD0] =	vst v4;
	v1 =	vperm.xlane v1, v0  }
0x59: {  	[tilespmem:s24+$0xFFFFFFC0] =	vst v2;
	v2 =	vperm.xlane v3, v0  }
0x5a: {  	v3 =	vperm.xlane v5, v0;
	[tilespmem:s24+$0xFFFFFFB0] =	vst v1  }
0x5b: {  	[tilespmem:s24+$0xFFFFFFA0] =	vst v2  }
0x5c: {  	[tilespmem:s24+$0x0] =	vst v3  }
0x5d: {  	v3 =	vld [tilespmem:s26+$0x0]  }
0x5e: {  	v5 =	vld [tilespmem:s26+$0xFFFFFFA0]  }
0x5f: {  	v7 =	vld [tilespmem:s26+$0xFFFFFFB0]  }
0x60: {  	v4 =	vld [tilespmem:s26+$0xFFFFFFC0]  }
0x61: {  	v2 =	vld [tilespmem:s26+$0xFFFFFFD0]  }
0x62: {  	v1 =	vld [tilespmem:s26+$0xFFFFFFE0];
	v8 =	vperm.xlane v3, v0  }
0x63: {  	v3 =	vld [tilespmem:s26+$0xFFFFFFF0];
	v6 =	vperm.xlane v5, v0  }
0x64: {  	s24 =	simm.s32 $0x0;
	v5 =	vld [tilespmem:s26+$0xFFFFFF90];
	v7 =	vperm.xlane v7, v0;
	s26 =	simm.s32 $0x3F0;
	[tilespmem:s25+$0xFFFFFF90] =	vst v8  }
.LBB2_9:
0x65: {  	v8 =	vld [tilespmem:s26+$0x0];
	s24 =	sadd.s32 $0x8, s24;
	[tilespmem:s25+$0xFFFFFFF0] =	vst v6;
	v4 =	vperm.xlane v4, v0  }
0x66: {  	v6 =	vld [tilespmem:s26+$0xFFFFFFA0];
	p1 =	slt.u32 s24, $0xF8;
	[tilespmem:s25+$0xFFFFFFE0] =	vst v7;
	v2 =	vperm.xlane v2, v0  }
0x67: {  	v7 =	vld [tilespmem:s26+$0xFFFFFFB0];
	[tilespmem:s25+$0xFFFFFFD0] =	vst v4;
	v1 =	vperm.xlane v1, v0  }
.Ltmp3:
0x68: {  	v4 =	vld [tilespmem:s26+$0xFFFFFFC0];
	[tilespmem:s25+$0xFFFFFFC0] =	vst v2;
	v3 =	vperm.xlane v3, v0;
	(pc) =	sbr.rel @p1 .LBB2_9-.Ltmp3, $4  }
0x69: {  	v2 =	vld [tilespmem:s26+$0xFFFFFFD0];
	v5 =	vperm.xlane v5, v0;
	[tilespmem:s25+$0xFFFFFFB0] =	vst v1  }
0x6a: {  	v1 =	vld [tilespmem:s26+$0xFFFFFFE0];
	v8 =	vperm.xlane v8, v0;
	[tilespmem:s25+$0xFFFFFFA0] =	vst v3  }
0x6b: {  	v6 =	vperm.xlane v6, v0;
	v3 =	vld [tilespmem:s26+$0xFFFFFFF0];
	[tilespmem:s25+$0x0] =	vst v5;
	s25 =	sadd.s32 $0xFFFFFE00, s25  }
0x6c: {  	v5 =	vld [tilespmem:s26+$0xFFFFFF90];
	v7 =	vperm.xlane v7, v0;
	[tilespmem:s25+$0xFFFFFF90] =	vst v8;
	s26 =	sadd.s32 $0x200, s26  }
0x6d: {  	[tilespmem:s25+$0xFFFFFFF0] =	vst v6;
	v4 =	vperm.xlane v4, v0  }
0x6e: {  	[tilespmem:s25+$0xFFFFFFE0] =	vst v7;
	v2 =	vperm.xlane v2, v0  }
0x6f: {  	p1 =	sne.s32 s20, $0x3;
	[tilespmem:s25+$0xFFFFFFD0] =	vst v4;
	v1 =	vperm.xlane v1, v0  }
.Ltmp4:
0x70: {  	[tilespmem:s25+$0xFFFFFFC0] =	vst v2;
	v2 =	vperm.xlane v3, v0;
	(pc) =	sbr.rel @p1 .LBB2_12-.Ltmp4, $4  }
0x71: {  	v3 =	vperm.xlane v5, v0;
	[tilespmem:s25+$0xFFFFFFB0] =	vst v1  }
0x72: {  	s23 =	sshll.u32 s23, $0xC;
	[tilespmem:s25+$0xFFFFFFA0] =	vst v2  }
0x73: {  	s23 =	sadd.s32 s3, s23;
	[tilespmem:s25+$0x0] =	vst v3  }
0x74: {  	[hbm4b:s23+s10] =	stream.strided.scatter [tilespmem:s14], [sflag:$0x3], $0x4000, s11, s10, $0x38;
	[tilespmem:$0x10000] =	vst v63  }
.Ltmp5:
0x75: {  	(pc) =	sbr.rel .LBB2_13-.Ltmp5, $4  }
0x76: {  	_ = 	snop  }
0x77: {  	_ =	swait.ge [sflag:s15], $0x4000  }
0x78: {  	[sflag:s15] =	ssyncset.done $0x0  }
0x79: {  	[sflag:s15] =	ssyncadd.s32 $0xFFFFC000  }
.LBB2_12:
.Ltmp6:
0x7a: {  	s22 =	sadd.s32 s22, s7;
	(pc) =	sbr.rel @p0 .LBB2_14-.Ltmp6, $4  }
0x7b: {  	[tilespmem:s4], [sflag:$0x1] =	stream.strided.gather [hbm4b:s22+s10], $0x4000, s11, s10, $0x38;
	[tilespmem:$0x10000] =	vst v63  }
0x7c: {  	_ =	swait.ge [sflag:s15], $0x4000  }
0x7d: {  	[sflag:s15] =	ssyncset.done $0x0  }
0x7e: {  	[sflag:s15] =	ssyncadd.s32 $0xFFFFC000  }
.LBB2_13:
0x7f: {  	_ =	swait.ge [sflag:s16], $0x4000  }
0x80: {  	[sflag:s16] =	ssyncset.done $0x0  }
0x81: {  	[sflag:s16] =	ssyncadd.s32 $0xFFFFC000  }
.LBB2_14:
0x82: {  	s23 =	simm.s32 $0x4040  }
0x83: {  	v4 =	vld [tilespmem:s23+$0x30]  }
0x84: {  	v5 =	vld [tilespmem:s23+$0xFFFFFFD0]  }
0x85: {  	v7 =	vld [tilespmem:s23+$0xFFFFFFE0]  }
0x86: {  	v3 =	vld [tilespmem:s23+$0xFFFFFFF0]  }
0x87: {  	v2 =	vld [tilespmem:s23+$0x0]  }
0x88: {  	v1 =	vld [tilespmem:s23+$0x10];
	v8 =	vperm.xlane v4, v0  }
0x89: {  	s22 =	simm.s32 $0xFE70;
	s25 =	simm.s32 $0x0;
	v4 =	vld [tilespmem:s23+$0x20];
	v6 =	vperm.xlane v5, v0  }
0x8a: {  	s26 =	simm.s32 $0x4240;
	s24 =	simm.s32 $0x40F0;
	v5 =	vld [tilespmem:s23+$0xFFFFFFC0];
	v7 =	vperm.xlane v7, v0;
	s23 =	simm.s32 $0xFEF0;
	[tilespmem:s22+$0xFFFFFF90] =	vst v8  }
.LBB2_15:
0x8b: {  	v8 =	vld [tilespmem:s26+$0x30];
	s25 =	sadd.s32 $0x8, s25;
	[tilespmem:s22+$0xFFFFFFF0] =	vst v6;
	v3 =	vperm.xlane v3, v0  }
0x8c: {  	v6 =	vld [tilespmem:s26+$0xFFFFFFD0];
	p0 =	slt.u32 s25, $0xF8;
	[tilespmem:s22+$0xFFFFFFE0] =	vst v7;
	v2 =	vperm.xlane v2, v0  }
0x8d: {  	v7 =	vld [tilespmem:s26+$0xFFFFFFE0];
	[tilespmem:s22+$0xFFFFFFD0] =	vst v3;
	v1 =	vperm.xlane v1, v0  }
.Ltmp7:
0x8e: {  	v3 =	vld [tilespmem:s26+$0xFFFFFFF0];
	[tilespmem:s22+$0xFFFFFFC0] =	vst v2;
	v4 =	vperm.xlane v4, v0;
	(pc) =	sbr.rel @p0 .LBB2_15-.Ltmp7, $4  }
0x8f: {  	v2 =	vld [tilespmem:s26+$0x0];
	v5 =	vperm.xlane v5, v0;
	[tilespmem:s22+$0xFFFFFFB0] =	vst v1  }
0x90: {  	v1 =	vld [tilespmem:s26+$0x10];
	v8 =	vperm.xlane v8, v0;
	[tilespmem:s22+$0xFFFFFFA0] =	vst v4  }
0x91: {  	v6 =	vperm.xlane v6, v0;
	v4 =	vld [tilespmem:s26+$0x20];
	[tilespmem:s22+$0x0] =	vst v5;
	s22 =	sadd.s32 $0xFFFFFE00, s22  }
0x92: {  	v5 =	vld [tilespmem:s26+$0xFFFFFFC0];
	v7 =	vperm.xlane v7, v0;
	[tilespmem:s22+$0xFFFFFF90] =	vst v8;
	s26 =	sadd.s32 $0x200, s26  }
0x93: {  	[tilespmem:s22+$0xFFFFFFF0] =	vst v6;
	v3 =	vperm.xlane v3, v0  }
0x94: {  	[tilespmem:s22+$0xFFFFFFE0] =	vst v7;
	v2 =	vperm.xlane v2, v0  }
0x95: {  	[tilespmem:s22+$0xFFFFFFD0] =	vst v3;
	v1 =	vperm.xlane v1, v0  }
0x96: {  	[tilespmem:s22+$0xFFFFFFC0] =	vst v2;
	v2 =	vperm.xlane v4, v0  }
0x97: {  	v3 =	vperm.xlane v5, v0;
	[tilespmem:s22+$0xFFFFFFB0] =	vst v1  }
0x98: {  	[tilespmem:s22+$0xFFFFFFA0] =	vst v2  }
0x99: {  	[tilespmem:s22+$0x0] =	vst v3  }
0x9a: {  	v3 =	vld [tilespmem:s24+$0x0]  }
0x9b: {  	v5 =	vld [tilespmem:s24+$0xFFFFFFA0]  }
0x9c: {  	v7 =	vld [tilespmem:s24+$0xFFFFFFB0]  }
0x9d: {  	v4 =	vld [tilespmem:s24+$0xFFFFFFC0]  }
0x9e: {  	v2 =	vld [tilespmem:s24+$0xFFFFFFD0]  }
0x9f: {  	v1 =	vld [tilespmem:s24+$0xFFFFFFE0];
	v8 =	vperm.xlane v3, v0  }
0xa0: {  	s25 =	simm.s32 $0x0;
	v3 =	vld [tilespmem:s24+$0xFFFFFFF0];
	v6 =	vperm.xlane v5, v0  }
0xa1: {  	s26 =	simm.s32 $0x42F0;
	s22 =	simm.s32 $0xFF70;
	v5 =	vld [tilespmem:s24+$0xFFFFFF90];
	v7 =	vperm.xlane v7, v0;
	s24 =	simm.s32 $0x4170;
	[tilespmem:s23+$0xFFFFFF90] =	vst v8  }
.LBB2_17:
0xa2: {  	v8 =	vld [tilespmem:s26+$0x0];
	s25 =	sadd.s32 $0x8, s25;
	[tilespmem:s23+$0xFFFFFFF0] =	vst v6;
	v4 =	vperm.xlane v4, v0  }
0xa3: {  	v6 =	vld [tilespmem:s26+$0xFFFFFFA0];
	p0 =	slt.u32 s25, $0xF8;
	[tilespmem:s23+$0xFFFFFFE0] =	vst v7;
	v2 =	vperm.xlane v2, v0  }
0xa4: {  	v7 =	vld [tilespmem:s26+$0xFFFFFFB0];
	[tilespmem:s23+$0xFFFFFFD0] =	vst v4;
	v1 =	vperm.xlane v1, v0  }
.Ltmp8:
0xa5: {  	v4 =	vld [tilespmem:s26+$0xFFFFFFC0];
	[tilespmem:s23+$0xFFFFFFC0] =	vst v2;
	v3 =	vperm.xlane v3, v0;
	(pc) =	sbr.rel @p0 .LBB2_17-.Ltmp8, $4  }
0xa6: {  	v2 =	vld [tilespmem:s26+$0xFFFFFFD0];
	v5 =	vperm.xlane v5, v0;
	[tilespmem:s23+$0xFFFFFFB0] =	vst v1  }
0xa7: {  	v1 =	vld [tilespmem:s26+$0xFFFFFFE0];
	v8 =	vperm.xlane v8, v0;
	[tilespmem:s23+$0xFFFFFFA0] =	vst v3  }
0xa8: {  	v6 =	vperm.xlane v6, v0;
	v3 =	vld [tilespmem:s26+$0xFFFFFFF0];
	[tilespmem:s23+$0x0] =	vst v5;
	s23 =	sadd.s32 $0xFFFFFE00, s23  }
0xa9: {  	v5 =	vld [tilespmem:s26+$0xFFFFFF90];
	v7 =	vperm.xlane v7, v0;
	[tilespmem:s23+$0xFFFFFF90] =	vst v8;
	s26 =	sadd.s32 $0x200, s26  }
0xaa: {  	[tilespmem:s23+$0xFFFFFFF0] =	vst v6;
	v4 =	vperm.xlane v4, v0  }
0xab: {  	[tilespmem:s23+$0xFFFFFFE0] =	vst v7;
	v2 =	vperm.xlane v2, v0  }
0xac: {  	[tilespmem:s23+$0xFFFFFFD0] =	vst v4;
	v1 =	vperm.xlane v1, v0  }
0xad: {  	[tilespmem:s23+$0xFFFFFFC0] =	vst v2;
	v2 =	vperm.xlane v3, v0  }
0xae: {  	v3 =	vperm.xlane v5, v0;
	[tilespmem:s23+$0xFFFFFFB0] =	vst v1  }
0xaf: {  	[tilespmem:s23+$0xFFFFFFA0] =	vst v2  }
0xb0: {  	[tilespmem:s23+$0x0] =	vst v3  }
0xb1: {  	v3 =	vld [tilespmem:s24+$0x0]  }
0xb2: {  	v5 =	vld [tilespmem:s24+$0xFFFFFFA0]  }
0xb3: {  	v7 =	vld [tilespmem:s24+$0xFFFFFFB0]  }
0xb4: {  	v4 =	vld [tilespmem:s24+$0xFFFFFFC0]  }
0xb5: {  	v2 =	vld [tilespmem:s24+$0xFFFFFFD0]  }
0xb6: {  	v1 =	vld [tilespmem:s24+$0xFFFFFFE0];
	v8 =	vperm.xlane v3, v0  }
0xb7: {  	s25 =	simm.s32 $0x0;
	v3 =	vld [tilespmem:s24+$0xFFFFFFF0];
	v6 =	vperm.xlane v5, v0  }
0xb8: {  	s26 =	simm.s32 $0x4370;
	s23 =	simm.s32 $0xFFF0;
	v5 =	vld [tilespmem:s24+$0xFFFFFF90];
	v7 =	vperm.xlane v7, v0;
	s24 =	simm.s32 $0x41F0;
	[tilespmem:s22+$0xFFFFFF90] =	vst v8  }
.LBB2_19:
0xb9: {  	v8 =	vld [tilespmem:s26+$0x0];
	s25 =	sadd.s32 $0x8, s25;
	[tilespmem:s22+$0xFFFFFFF0] =	vst v6;
	v4 =	vperm.xlane v4, v0  }
0xba: {  	v6 =	vld [tilespmem:s26+$0xFFFFFFA0];
	p0 =	slt.u32 s25, $0xF8;
	[tilespmem:s22+$0xFFFFFFE0] =	vst v7;
	v2 =	vperm.xlane v2, v0  }
0xbb: {  	v7 =	vld [tilespmem:s26+$0xFFFFFFB0];
	[tilespmem:s22+$0xFFFFFFD0] =	vst v4;
	v1 =	vperm.xlane v1, v0  }
.Ltmp9:
0xbc: {  	v4 =	vld [tilespmem:s26+$0xFFFFFFC0];
	[tilespmem:s22+$0xFFFFFFC0] =	vst v2;
	v3 =	vperm.xlane v3, v0;
	(pc) =	sbr.rel @p0 .LBB2_19-.Ltmp9, $4  }
0xbd: {  	v2 =	vld [tilespmem:s26+$0xFFFFFFD0];
	v5 =	vperm.xlane v5, v0;
	[tilespmem:s22+$0xFFFFFFB0] =	vst v1  }
0xbe: {  	v1 =	vld [tilespmem:s26+$0xFFFFFFE0];
	v8 =	vperm.xlane v8, v0;
	[tilespmem:s22+$0xFFFFFFA0] =	vst v3  }
0xbf: {  	v6 =	vperm.xlane v6, v0;
	v3 =	vld [tilespmem:s26+$0xFFFFFFF0];
	[tilespmem:s22+$0x0] =	vst v5;
	s22 =	sadd.s32 $0xFFFFFE00, s22  }
0xc0: {  	v5 =	vld [tilespmem:s26+$0xFFFFFF90];
	v7 =	vperm.xlane v7, v0;
	[tilespmem:s22+$0xFFFFFF90] =	vst v8;
	s26 =	sadd.s32 $0x200, s26  }
0xc1: {  	[tilespmem:s22+$0xFFFFFFF0] =	vst v6;
	v4 =	vperm.xlane v4, v0  }
0xc2: {  	[tilespmem:s22+$0xFFFFFFE0] =	vst v7;
	v2 =	vperm.xlane v2, v0  }
0xc3: {  	[tilespmem:s22+$0xFFFFFFD0] =	vst v4;
	v1 =	vperm.xlane v1, v0  }
0xc4: {  	[tilespmem:s22+$0xFFFFFFC0] =	vst v2;
	v2 =	vperm.xlane v3, v0  }
0xc5: {  	v3 =	vperm.xlane v5, v0;
	[tilespmem:s22+$0xFFFFFFB0] =	vst v1  }
0xc6: {  	[tilespmem:s22+$0xFFFFFFA0] =	vst v2  }
0xc7: {  	[tilespmem:s22+$0x0] =	vst v3  }
0xc8: {  	v3 =	vld [tilespmem:s24+$0x0]  }
0xc9: {  	v5 =	vld [tilespmem:s24+$0xFFFFFFA0]  }
0xca: {  	v7 =	vld [tilespmem:s24+$0xFFFFFFB0]  }
0xcb: {  	v4 =	vld [tilespmem:s24+$0xFFFFFFC0]  }
0xcc: {  	v2 =	vld [tilespmem:s24+$0xFFFFFFD0]  }
0xcd: {  	v1 =	vld [tilespmem:s24+$0xFFFFFFE0];
	v8 =	vperm.xlane v3, v0  }
0xce: {  	v3 =	vld [tilespmem:s24+$0xFFFFFFF0];
	v6 =	vperm.xlane v5, v0  }
0xcf: {  	s22 =	simm.s32 $0x0;
	v5 =	vld [tilespmem:s24+$0xFFFFFF90];
	v7 =	vperm.xlane v7, v0;
	s24 =	simm.s32 $0x43F0;
	[tilespmem:s23+$0xFFFFFF90] =	vst v8  }
.LBB2_21:
0xd0: {  	v8 =	vld [tilespmem:s24+$0x0];
	s22 =	sadd.s32 $0x8, s22;
	[tilespmem:s23+$0xFFFFFFF0] =	vst v6;
	v4 =	vperm.xlane v4, v0  }
0xd1: {  	v6 =	vld [tilespmem:s24+$0xFFFFFFA0];
	p0 =	slt.u32 s22, $0xF8;
	[tilespmem:s23+$0xFFFFFFE0] =	vst v7;
	v2 =	vperm.xlane v2, v0  }
0xd2: {  	v7 =	vld [tilespmem:s24+$0xFFFFFFB0];
	[tilespmem:s23+$0xFFFFFFD0] =	vst v4;
	v1 =	vperm.xlane v1, v0  }
.Ltmp10:
0xd3: {  	v4 =	vld [tilespmem:s24+$0xFFFFFFC0];
	[tilespmem:s23+$0xFFFFFFC0] =	vst v2;
	v3 =	vperm.xlane v3, v0;
	(pc) =	sbr.rel @p0 .LBB2_21-.Ltmp10, $4  }
0xd4: {  	v2 =	vld [tilespmem:s24+$0xFFFFFFD0];
	v5 =	vperm.xlane v5, v0;
	[tilespmem:s23+$0xFFFFFFB0] =	vst v1  }
0xd5: {  	v1 =	vld [tilespmem:s24+$0xFFFFFFE0];
	v8 =	vperm.xlane v8, v0;
	[tilespmem:s23+$0xFFFFFFA0] =	vst v3  }
0xd6: {  	v6 =	vperm.xlane v6, v0;
	v3 =	vld [tilespmem:s24+$0xFFFFFFF0];
	[tilespmem:s23+$0x0] =	vst v5;
	s23 =	sadd.s32 $0xFFFFFE00, s23  }
0xd7: {  	v5 =	vld [tilespmem:s24+$0xFFFFFF90];
	v7 =	vperm.xlane v7, v0;
	[tilespmem:s23+$0xFFFFFF90] =	vst v8;
	s24 =	sadd.s32 $0x200, s24  }
0xd8: {  	[tilespmem:s23+$0xFFFFFFF0] =	vst v6;
	v4 =	vperm.xlane v4, v0  }
0xd9: {  	s20 =	sadd.s32 $0x1, s20;
	[tilespmem:s23+$0xFFFFFFE0] =	vst v7;
	v2 =	vperm.xlane v2, v0  }
0xda: {  	p0 =	sne.s32 s20, $0x4;
	[tilespmem:s23+$0xFFFFFFD0] =	vst v4;
	v1 =	vperm.xlane v1, v0  }
.Ltmp11:
0xdb: {  	[tilespmem:s23+$0xFFFFFFC0] =	vst v2;
	v2 =	vperm.xlane v3, v0;
	(pc) =	sbr.rel @p0 .LBB2_2-.Ltmp11, $4  }
0xdc: {  	v3 =	vperm.xlane v5, v0;
	[tilespmem:s23+$0xFFFFFFB0] =	vst v1  }
0xdd: {  	[tilespmem:s23+$0xFFFFFFA0] =	vst v2  }
0xde: {  	s21 =	sadd.s32 s3, s21;
	[tilespmem:s23+$0x0] =	vst v3  }
0xdf: {  	[hbm4b:s21+s10] =	stream.strided.scatter [tilespmem:s17], [sflag:$0x4], $0x4000, s11, s10, $0x38;
	[tilespmem:$0x10000] =	vst v63  }
0xe0: {  	s19 =	sadd.s32 $0x1, s19  }
0xe1: {  	_ =	swait.ge [sflag:s18], $0x4000;
	p0 =	sne.s32 s19, s8  }
.Ltmp12:
0xe2: {  	[sflag:s18] =	ssyncset.done $0x0;
	(pc) =	sbr.rel @p0 .LBB2_1-.Ltmp12, $4  }
0xe3: {  	[sflag:s18] =	ssyncadd.s32 $0xFFFFC000  }
0xe4: {  	_ =	swait.ge [sflag:s16], $0x4000  }
0xe5: {  	[sflag:s16] =	ssyncset.done $0x0  }
0xe6: {  	[sflag:s16] =	ssyncadd.s32 $0xFFFFC000  }
0xe7: {  	_ =	sfence.sel $0x180000  }
0xe8: {  	[bflag:$0x0] =	sbarrier.arrive $0xFFFF  }
0xe9: {  	p0 =	sne.s32 s0, $0x0;
	_ =	strace $0x90000047  }
0xea: {  	s0 =	sadd.s32 @!p0 $0x100000, s1;
	[bflag:$0x2] =	sbarrier.arrive $0xFFFF  }
0xeb: {  	[sflag:s0] =	ssyncadd.tile.s32 @!p0 $0x1;
	_ =	shalt  }
.Lfunc_end2:
_tile_overlayer_lowered:
.L_overlay_start_2:
0xec: {  	(tag) =	ssettag $0x2  }
0xed: {  	s0 =	rddreg [dreg:$0x0];
	s2 =	stileid.u32  }
0xee: {  	s1 =	rddreg [dreg:$0x1];
	p0 =	sne.s32 s2, $0x0  }
0xef: {  	s3 =	rddreg [dreg:$0x2];
	[bflag:$0x3] =	sbarrier.arrive $0xFFFF;
	s2 =	simm.s32 @!p0 $0x1C05  }
0xf0: {  	[timem:s3], [sflag:s2] =	dma.local @!p0 [hbm:s0], s1  }
0xf1: {  	s0 =	simm.s32 @!p0 $0x5  }
0xf2: {  	_ =	swait.ge @!p0 [sflag:s0], s1  }
0xf3: {  	s1 =	ssub.s32 @!p0 $0x0, s1;
	[sflag:s0] =	ssyncset.done @!p0 $0x0  }
0xf4: {  	[sflag:s0] =	ssyncadd.s32 @!p0 s1  }
0xf5: {  	[bflag:$0x3] =	sbarrier.arrive $0xFFFF  }
0xf6: {  	_ =	shalt  }

</sc_bundles>
